<compile_context>
chip_gen: v7x
topology: tpu7x:2x2x1
jax: 0.10.2.dev20260603
libtpu: 0.0.44.dev20260713+nightly
codegen_flags: <defaults>
</compile_context>

<pallas_src>
import functools

import jax
import jax.numpy as jnp
from jax import lax
from jax.experimental import pallas as pl
from jax.experimental.pallas import tpu as pltpu, tpu_sc as plsc

_NX, _NY, _NZ = 432, 496, 1
_B = 4
_CF = 64
_GRID = _NZ * _NX * _NY
_RTOT = _B * _GRID
_YB = 16
_SBLK = _YB * _NX
_NYB = _NY // _YB
_CW = 128
_CAN_ROWS = _RTOT + _SBLK
_NW = 32
_ROWN = _RTOT // _NW
_CAP = ((_ROWN + 127) // 128) * 128 + 128
_DCH = 128


def _pass_a(flat, src):
    p = flat.shape[0]
    scch = 8000
    assert p % scch == 0 and p % 16 == 0
    nch_scan = p // scch
    mesh = plsc.VectorSubcoreMesh(core_axis_name="c", subcore_axis_name="s")

    @functools.partial(
        pl.kernel,
        out_type=[
            jax.ShapeDtypeStruct((_CAN_ROWS, _CW), jnp.float32),
            jax.ShapeDtypeStruct((_RTOT,), jnp.int32),
        ],
        mesh=mesh,
        compiler_params=pltpu.CompilerParams(needs_layout_passes=False),
        scratch_types=[
            pltpu.VMEM((_ROWN,), jnp.int32),
            pltpu.VMEM((_CAP,), jnp.int32),
            pltpu.VMEM((_CAP,), jnp.int32),
            pltpu.VMEM((scch,), jnp.int32),
            pltpu.VMEM((scch,), jnp.int32),
            pltpu.VMEM((_DCH,), jnp.int32),
            pltpu.VMEM((_DCH,), jnp.int32),
            pltpu.VMEM((_DCH, _CW), jnp.float32),
            pltpu.SemaphoreType.DMA,
            pltpu.SemaphoreType.DMA,
        ],
    )
    def k(flat_hbm, src_hbm, canvas_hbm, occ_hbm,
          map_v, cells_v, winners_v, idx0, idx1, cchunk0, wchunk0,
          rowbuf0, gsem, ssem):
        nc = 2
        wid = lax.axis_index("s") * nc + lax.axis_index("c")
        base = wid * _ROWN
        iota = lax.iota(jnp.int32, 16)
        zeros16 = jnp.zeros((16,), jnp.int32)

        def p0(i, _):
            map_v[pl.ds(i * 16, 16)] = zeros16
            return 0
        lax.fori_loop(0, _ROWN // 16, p0, 0)

        def scan_chunk(buf, c):
            def p2(i, _):
                idx = buf[pl.ds(i * 16, 16)]
                m = (idx >= base) & (idx < base + _ROWN)
                ids = c * scch + i * 16 + 1 + iota
                plsc.store_scatter(map_v, [idx - base], ids, mask=m)
                return 0
            lax.fori_loop(0, scch // 16, p2, 0)

        bufs = [idx0, idx1]
        pltpu.async_copy(flat_hbm.at[pl.ds(0, scch)], bufs[0], gsem)
        for c in range(nch_scan):
            buf = bufs[c % 2]
            pltpu.make_async_copy(
                flat_hbm.at[pl.ds(c * scch, scch)], buf, gsem).wait()
            if c + 1 < nch_scan:
                pltpu.async_copy(flat_hbm.at[pl.ds((c + 1) * scch, scch)],
                                 bufs[(c + 1) % 2], gsem)
            scan_chunk(buf, c)

        def p3(g, n):
            v = map_v[pl.ds(g * 16, 16)]
            m = v > 0
            plsc.store_compressed(cells_v.at[pl.ds(n, 16)],
                                  base + g * 16 + iota, mask=m)
            plsc.store_compressed(winners_v.at[pl.ds(n, 16)], v - 1, mask=m)
            return n + jnp.sum(m.astype(jnp.int32))
        n = lax.fori_loop(0, _ROWN // 16, p3, jnp.int32(0))

        for kk in range(9):
            o = pl.ds(n + kk * 16, 16)
            cells_v[o] = _RTOT + ((kk * 16 + iota) & 127)
            winners_v[o] = zeros16

        def p4(j, _):
            for t in range(_DCH // 16):
                o = pl.ds(t * 16, 16)
                cchunk0[o] = cells_v[pl.ds(j * _DCH + t * 16, 16)]
                wchunk0[o] = winners_v[pl.ds(j * _DCH + t * 16, 16)]
            pltpu.async_copy(src_hbm.at[wchunk0], rowbuf0, gsem).wait()
            pltpu.async_copy(rowbuf0, canvas_hbm.at[cchunk0], ssem).wait()
            return 0
        lax.fori_loop(0, (n + _DCH - 1) // _DCH, p4, 0)

        pltpu.sync_copy(map_v, occ_hbm.at[pl.ds(base, _ROWN)])

    return k(flat, src)


def _pass_b(canvas, occ):
    def body(cv_ref, occ_ref, o1_ref, o2_ref):
        b = pl.program_id(0)
        rowmask = lax.broadcasted_iota(jnp.int32, (_B, 1), 0) == b
        occv = jnp.sum(jnp.where(rowmask, occ_ref[...], 0), axis=0)
        v = cv_ref[...]
        occm = (occv > 0)[None, :]
        t = jnp.transpose(v)
        t1 = jnp.where(occm, t[:_CF], 0.0)
        t2 = jnp.where(occm, t[_CF:_CF + 3], 0.0)
        for yy in range(_YB):
            lo, hi = yy * _NX, (yy + 1) * _NX
            o1_ref[0, :, yy, :] = t1[:, lo:hi]
            o2_ref[0, :, yy, :] = t2[:, lo:hi]

    return pl.pallas_call(
        body,
        grid=(_B, _NYB),
        in_specs=[
            pl.BlockSpec((_SBLK, _CW), lambda b, y: (b * _NYB + y, 0)),
            pl.BlockSpec((_B, _SBLK), lambda b, y: (0, y)),
        ],
        out_specs=[
            pl.BlockSpec((1, _CF, _YB, _NX), lambda b, y: (b, 0, y, 0)),
            pl.BlockSpec((1, 3, _YB, _NX), lambda b, y: (b, 0, y, 0)),
        ],
        out_shape=[
            jax.ShapeDtypeStruct((_B, _CF, _NY, _NX), jnp.float32),
            jax.ShapeDtypeStruct((_B, 3, _NY, _NX), jnp.float32),
        ],
    )(canvas, occ)


def kernel(add_features_to_map, pillar_features, voxel_coords):
    p = pillar_features.shape[0]
    vc = voxel_coords.astype(jnp.int32)
    flat = vc[:, 0] * _GRID + vc[:, 1] + vc[:, 2] * _NX + vc[:, 3]
    src = jnp.concatenate(
        [pillar_features, add_features_to_map,
         jnp.zeros((p, _CW - _CF - 3), jnp.float32)], axis=1)

    canvas, occ = _pass_a(flat, src)
    return _pass_b(canvas, occ.reshape(_B, _GRID))

# --- scband reference (transcript-rebuilt; emitter-appended) ---
"""Pipeline reference for scband-point-pillar-scatter-multi-34059090657827 (READ-ONLY COPY).

The authoritative reference and input builder live on the scoring server;
editing this copy changes nothing except your own understanding.
"""

import jax, jax.numpy as jnp
import numpy as np

NX, NY, NZ = 432, 496, 1
C_BEV = 64
C_ADD = 3
P = 40000
BATCH = 4


def setup_inputs(seed: int = 0) -> dict:
    key = jax.random.key(seed)
    k1, k2, k3, k4, k5 = jax.random.split(key, 5)
    pillar_features = jax.random.normal(k1, (P, C_BEV), dtype=jnp.float32)
    add_features_to_map = jax.random.normal(k2, (P, C_ADD), dtype=jnp.float32)
    c0 = jax.random.randint(k3, (P,), 0, BATCH)
    c0 = c0.at[-1].set(BATCH - 1)  # ensure batch_size == BATCH
    c1 = jnp.zeros((P,), dtype=jnp.int64 if jax.config.jax_enable_x64 else jnp.int32)
    c2 = jax.random.randint(k4, (P,), 0, NY)
    c3 = jax.random.randint(k5, (P,), 0, NX)
    voxel_coords = jnp.stack([c0, c1, c2, c3], axis=1)
    return {
        "add_features_to_map": add_features_to_map,
        "pillar_features": pillar_features,
        "voxel_coords": voxel_coords,
    }


def reference(add_features_to_map, pillar_features, voxel_coords):
    # Faithful translation of PointPillarScatter_Multi.forward (no *_multi keys
    # present in batch_dict, so the multi branch is skipped — matches torch).
    batch_size = BATCH
    grid = NZ * NX * NY
    # indices = c1 + c2 * nx + c3 (per-batch spatial index into flattened canvas)
    spatial_idx = voxel_coords[:, 1] + voxel_coords[:, 2] * NX + voxel_coords[:, 3]
    flat_idx = voxel_coords[:, 0] * grid + spatial_idx
    flat_idx = flat_idx.astype(jnp.int32)

    # spatial_feature[:, indices] = pillars.t()  (scatter-overwrite)
    canvas = jnp.zeros((batch_size * grid, C_BEV), dtype=pillar_features.dtype)
    canvas = canvas.at[flat_idx].set(pillar_features)
    spatial_features = canvas.reshape(batch_size, grid, C_BEV)
    spatial_features = jnp.transpose(spatial_features, (0, 2, 1))
    spatial_features = spatial_features.reshape(batch_size, C_BEV * NZ, NY, NX)

    add_canvas = jnp.zeros((batch_size * grid, C_ADD), dtype=add_features_to_map.dtype)
    add_canvas = add_canvas.at[flat_idx].set(add_features_to_map)
    add_features = add_canvas.reshape(batch_size, grid, C_ADD)
    add_features = jnp.transpose(add_features, (0, 2, 1))
    add_features = add_features.reshape(batch_size, C_ADD * NZ, NY, NX)

    return spatial_features, add_features

if __name__ == "__main__":
    import jax
    _d = setup_inputs()
    print(jax.jit(kernel)(*tuple(_d.values())))

</pallas_src>

<mosaic_0001>
#map = affine_map<(d0, d1) -> (0)>
#map1 = affine_map<(d0, d1) -> (0, 0)>
module attributes {stable_mosaic.version = 14 : i64} {
  func.func @k(%arg0: i32, %arg1: i32, %arg2: memref<40000xi32, #tpu.memory_space<hbm>>, %arg3: memref<40000x128xf32, #tpu.memory_space<hbm>>, %arg4: memref<864000x128xf32, #tpu.memory_space<hbm>>, %arg5: memref<857088xi32, #tpu.memory_space<hbm>>, %arg6: memref<26784xi32, #tpu.memory_space<vmem>>, %arg7: memref<27008xi32, #tpu.memory_space<vmem>>, %arg8: memref<27008xi32, #tpu.memory_space<vmem>>, %arg9: memref<8000xi32, #tpu.memory_space<vmem>>, %arg10: memref<8000xi32, #tpu.memory_space<vmem>>, %arg11: memref<128xi32, #tpu.memory_space<vmem>>, %arg12: memref<128xi32, #tpu.memory_space<vmem>>, %arg13: memref<128x128xf32, #tpu.memory_space<vmem>>, %arg14: memref<!tpu.dma_semaphore, #tpu.memory_space<semaphore_mem>>, %arg15: memref<!tpu.dma_semaphore, #tpu.memory_space<semaphore_mem>>) attributes {dimension_semantics = [#tpu.dimension_semantics<core_parallel>, #tpu.dimension_semantics<subcore_parallel>], iteration_bounds = array<i64: 2, 16>, scalar_prefetch = 0 : i64, scratch_operands = 10 : i64, tpu.core_type = #tpu.core_type<sc_vector_subcore>, window_params = [{transform_indices = #map}, {transform_indices = #map1}, {transform_indices = #map1}, {transform_indices = #map}]} {
    %mul3A = arith.constant 2 : i32
    %mul3A_0 = arith.muli %arg1, %mul3A : i32
    %add3A = arith.addi %mul3A_0, %arg0 : i32
    %mul3A_1 = arith.constant 26784 : i32
    %mul3A_2 = arith.muli %add3A, %mul3A_1 : i32
    %iota3A = tpu.iota {dimensions = array<i32: 0>} : vector<16xi32>
    %broadcast_in_dim3A = arith.constant 0 : i32
    %broadcast_in_dim3A_3 = vector.broadcast %broadcast_in_dim3A : i32 to vector<16xi32>
    %scan3A = arith.constant 0 : i32
    %scan3A_4 = arith.constant 0 : i32
    %scan3A_5 = arith.constant 1674 : i32
    %scan3A_6 = arith.addi %scan3A_4, %scan3A_5 : i32
    %scan3A_7 = arith.constant 1 : i32
    %scan3A_8 = scf.for %scan3A_255 = %scan3A_4 to %scan3A_6 step %scan3A_7 iter_args(%scan3A_256 = %scan3A) -> (i32)  : i32 {
      %mul3A_257 = arith.constant 16 : i32
      %mul3A_258 = arith.muli %scan3A_255, %mul3A_257 : i32
      %swap3A_259 = arith.index_cast %mul3A_258 : i32 to index
      %swap3A_260 = tpu.vector_load %arg6[%swap3A_259] {strides = array<i32>} : memref<26784xi32, #tpu.memory_space<vmem>>, vector<16xi32>,
      tpu.vector_store %arg6[%swap3A_259], %broadcast_in_dim3A_3 {strides = array<i32>} : memref<26784xi32, #tpu.memory_space<vmem>>, vector<16xi32>,
      %scan3A_261 = arith.constant 0 : i32
      scf.yield %scan3A_261 : i32
    }
    %scan3A_9 = arith.constant 1674 : i32
    %dma_start3A = arith.constant 0 : i32
    %dma_start3A_10 = tpu.memref_slice %arg2[%dma_start3A] : memref<40000xi32, #tpu.memory_space<hbm>> -> memref<8000xi32, #tpu.memory_space<hbm>>
    %dma_start3A_11 = arith.constant 0 : i32
    %dma_start3A_12 = tpu.memref_slice %arg2[%dma_start3A_11] : memref<40000xi32, #tpu.memory_space<hbm>> -> memref<8000xi32, #tpu.memory_space<hbm>>
    tpu.enqueue_dma source(%dma_start3A_12 : memref<8000xi32, #tpu.memory_space<hbm>>) target(%arg9 : memref<8000xi32, #tpu.memory_space<vmem>>) target_semaphore(%arg14 : memref<!tpu.dma_semaphore, #tpu.memory_space<semaphore_mem>>)
    %dma_wait3A = arith.constant 0 : i32
    %dma_wait3A_13 = tpu.memref_slice %arg2[%dma_wait3A] : memref<40000xi32, #tpu.memory_space<hbm>> -> memref<8000xi32, #tpu.memory_space<hbm>>
    %dma_wait3A_14 = arith.constant 0 : i32
    %dma_wait3A_15 = tpu.memref_slice %arg2[%dma_wait3A_14] : memref<40000xi32, #tpu.memory_space<hbm>> -> memref<8000xi32, #tpu.memory_space<hbm>>
    tpu.wait_dma2 semaphore(%arg14 : memref<!tpu.dma_semaphore, #tpu.memory_space<semaphore_mem>>) src(%dma_wait3A_15 : memref<8000xi32, #tpu.memory_space<hbm>>) dst(%arg9 : memref<8000xi32, #tpu.memory_space<vmem>>)
    %dma_start3A_16 = arith.constant 8000 : i32
    %dma_start3A_17 = tpu.memref_slice %arg2[%dma_start3A_16] : memref<40000xi32, #tpu.memory_space<hbm>> -> memref<8000xi32, #tpu.memory_space<hbm>>
    %dma_start3A_18 = arith.constant 8000 : i32
    %dma_start3A_19 = tpu.memref_slice %arg2[%dma_start3A_18] : memref<40000xi32, #tpu.memory_space<hbm>> -> memref<8000xi32, #tpu.memory_space<hbm>>
    tpu.enqueue_dma source(%dma_start3A_19 : memref<8000xi32, #tpu.memory_space<hbm>>) target(%arg10 : memref<8000xi32, #tpu.memory_space<vmem>>) target_semaphore(%arg14 : memref<!tpu.dma_semaphore, #tpu.memory_space<semaphore_mem>>)
    %scan3A_20 = arith.constant 0 : i32
    %scan3A_21 = arith.constant 0 : i32
    %scan3A_22 = arith.constant 500 : i32
    %scan3A_23 = arith.addi %scan3A_21, %scan3A_22 : i32
    %scan3A_24 = arith.constant 1 : i32
    %scan3A_25 = scf.for %scan3A_255 = %scan3A_21 to %scan3A_23 step %scan3A_24 iter_args(%scan3A_256 = %scan3A_20) -> (i32)  : i32 {
      %mul3A_257 = arith.constant 16 : i32
      %mul3A_258 = arith.muli %scan3A_255, %mul3A_257 : i32
      %get3A = arith.index_cast %mul3A_258 : i32 to index
      %get3A_259 = tpu.vector_load %arg9[%get3A] {strides = array<i32>} : memref<8000xi32, #tpu.memory_space<vmem>>, vector<16xi32>,
      %ge3A = vector.broadcast %mul3A_2 : i32 to vector<16xi32>
      %ge3A_260 = arith.cmpi sge, %get3A_259, %ge3A : vector<16xi32>
      %add3A_261 = arith.constant 26784 : i32
      %add3A_262 = arith.addi %mul3A_2, %add3A_261 : i32
      %lt3A = vector.broadcast %add3A_262 : i32 to vector<16xi32>
      %lt3A_263 = arith.cmpi slt, %get3A_259, %lt3A : vector<16xi32>
      %and3A_264 = arith.andi %ge3A_260, %lt3A_263 : vector<16xi1>
      %mul3A_265 = arith.constant 16 : i32
      %mul3A_266 = arith.muli %scan3A_255, %mul3A_265 : i32
      %add3A_267 = arith.constant 0 : i32
      %add3A_268 = arith.addi %add3A_267, %mul3A_266 : i32
      %add3A_269 = arith.constant 1 : i32
      %add3A_270 = arith.addi %add3A_268, %add3A_269 : i32
      %add3A_271 = vector.broadcast %add3A_270 : i32 to vector<16xi32>
      %add3A_272 = arith.addi %add3A_271, %iota3A : vector<16xi32>
      %sub3A_273 = vector.broadcast %mul3A_2 : i32 to vector<16xi32>
      %sub3A_274 = arith.subi %get3A_259, %sub3A_273 : vector<16xi32>
      tpu.vector_store_idx %arg6[%sub3A_274], %add3A_272 masked %and3A_264 : memref<26784xi32, #tpu.memory_space<vmem>>[vector<16xi32>], vector<16xi32>, vector<16xi1>
      %scan3A_275 = arith.constant 0 : i32
      scf.yield %scan3A_275 : i32
    }
    %scan3A_26 = arith.constant 500 : i32
    %dma_wait3A_27 = arith.constant 8000 : i32
    %dma_wait3A_28 = tpu.memref_slice %arg2[%dma_wait3A_27] : memref<40000xi32, #tpu.memory_space<hbm>> -> memref<8000xi32, #tpu.memory_space<hbm>>
    %dma_wait3A_29 = arith.constant 8000 : i32
    %dma_wait3A_30 = tpu.memref_slice %arg2[%dma_wait3A_29] : memref<40000xi32, #tpu.memory_space<hbm>> -> memref<8000xi32, #tpu.memory_space<hbm>>
    tpu.wait_dma2 semaphore(%arg14 : memref<!tpu.dma_semaphore, #tpu.memory_space<semaphore_mem>>) src(%dma_wait3A_30 : memref<8000xi32, #tpu.memory_space<hbm>>) dst(%arg10 : memref<8000xi32, #tpu.memory_space<vmem>>)
    %dma_start3A_31 = arith.constant 16000 : i32
    %dma_start3A_32 = tpu.memref_slice %arg2[%dma_start3A_31] : memref<40000xi32, #tpu.memory_space<hbm>> -> memref<8000xi32, #tpu.memory_space<hbm>>
    %dma_start3A_33 = arith.constant 16000 : i32
    %dma_start3A_34 = tpu.memref_slice %arg2[%dma_start3A_33] : memref<40000xi32, #tpu.memory_space<hbm>> -> memref<8000xi32, #tpu.memory_space<hbm>>
    tpu.enqueue_dma source(%dma_start3A_34 : memref<8000xi32, #tpu.memory_space<hbm>>) target(%arg9 : memref<8000xi32, #tpu.memory_space<vmem>>) target_semaphore(%arg14 : memref<!tpu.dma_semaphore, #tpu.memory_space<semaphore_mem>>)
    %scan3A_35 = arith.constant 0 : i32
    %scan3A_36 = arith.constant 0 : i32
    %scan3A_37 = arith.constant 500 : i32
    %scan3A_38 = arith.addi %scan3A_36, %scan3A_37 : i32
    %scan3A_39 = arith.constant 1 : i32
    %scan3A_40 = scf.for %scan3A_255 = %scan3A_36 to %scan3A_38 step %scan3A_39 iter_args(%scan3A_256 = %scan3A_35) -> (i32)  : i32 {
      %mul3A_257 = arith.constant 16 : i32
      %mul3A_258 = arith.muli %scan3A_255, %mul3A_257 : i32
      %get3A = arith.index_cast %mul3A_258 : i32 to index
      %get3A_259 = tpu.vector_load %arg10[%get3A] {strides = array<i32>} : memref<8000xi32, #tpu.memory_space<vmem>>, vector<16xi32>,
      %ge3A = vector.broadcast %mul3A_2 : i32 to vector<16xi32>
      %ge3A_260 = arith.cmpi sge, %get3A_259, %ge3A : vector<16xi32>
      %add3A_261 = arith.constant 26784 : i32
      %add3A_262 = arith.addi %mul3A_2, %add3A_261 : i32
      %lt3A = vector.broadcast %add3A_262 : i32 to vector<16xi32>
      %lt3A_263 = arith.cmpi slt, %get3A_259, %lt3A : vector<16xi32>
      %and3A_264 = arith.andi %ge3A_260, %lt3A_263 : vector<16xi1>
      %mul3A_265 = arith.constant 16 : i32
      %mul3A_266 = arith.muli %scan3A_255, %mul3A_265 : i32
      %add3A_267 = arith.constant 8000 : i32
      %add3A_268 = arith.addi %add3A_267, %mul3A_266 : i32
      %add3A_269 = arith.constant 1 : i32
      %add3A_270 = arith.addi %add3A_268, %add3A_269 : i32
      %add3A_271 = vector.broadcast %add3A_270 : i32 to vector<16xi32>
      %add3A_272 = arith.addi %add3A_271, %iota3A : vector<16xi32>
      %sub3A_273 = vector.broadcast %mul3A_2 : i32 to vector<16xi32>
      %sub3A_274 = arith.subi %get3A_259, %sub3A_273 : vector<16xi32>
      tpu.vector_store_idx %arg6[%sub3A_274], %add3A_272 masked %and3A_264 : memref<26784xi32, #tpu.memory_space<vmem>>[vector<16xi32>], vector<16xi32>, vector<16xi1>
      %scan3A_275 = arith.constant 0 : i32
      scf.yield %scan3A_275 : i32
    }
    %scan3A_41 = arith.constant 500 : i32
    %dma_wait3A_42 = arith.constant 16000 : i32
    %dma_wait3A_43 = tpu.memref_slice %arg2[%dma_wait3A_42] : memref<40000xi32, #tpu.memory_space<hbm>> -> memref<8000xi32, #tpu.memory_space<hbm>>
    %dma_wait3A_44 = arith.constant 16000 : i32
    %dma_wait3A_45 = tpu.memref_slice %arg2[%dma_wait3A_44] : memref<40000xi32, #tpu.memory_space<hbm>> -> memref<8000xi32, #tpu.memory_space<hbm>>
    tpu.wait_dma2 semaphore(%arg14 : memref<!tpu.dma_semaphore, #tpu.memory_space<semaphore_mem>>) src(%dma_wait3A_45 : memref<8000xi32, #tpu.memory_space<hbm>>) dst(%arg9 : memref<8000xi32, #tpu.memory_space<vmem>>)
    %dma_start3A_46 = arith.constant 24000 : i32
    %dma_start3A_47 = tpu.memref_slice %arg2[%dma_start3A_46] : memref<40000xi32, #tpu.memory_space<hbm>> -> memref<8000xi32, #tpu.memory_space<hbm>>
    %dma_start3A_48 = arith.constant 24000 : i32
    %dma_start3A_49 = tpu.memref_slice %arg2[%dma_start3A_48] : memref<40000xi32, #tpu.memory_space<hbm>> -> memref<8000xi32, #tpu.memory_space<hbm>>
    tpu.enqueue_dma source(%dma_start3A_49 : memref<8000xi32, #tpu.memory_space<hbm>>) target(%arg10 : memref<8000xi32, #tpu.memory_space<vmem>>) target_semaphore(%arg14 : memref<!tpu.dma_semaphore, #tpu.memory_space<semaphore_mem>>)
    %scan3A_50 = arith.constant 0 : i32
    %scan3A_51 = arith.constant 0 : i32
    %scan3A_52 = arith.constant 500 : i32
    %scan3A_53 = arith.addi %scan3A_51, %scan3A_52 : i32
    %scan3A_54 = arith.constant 1 : i32
    %scan3A_55 = scf.for %scan3A_255 = %scan3A_51 to %scan3A_53 step %scan3A_54 iter_args(%scan3A_256 = %scan3A_50) -> (i32)  : i32 {
      %mul3A_257 = arith.constant 16 : i32
      %mul3A_258 = arith.muli %scan3A_255, %mul3A_257 : i32
      %get3A = arith.index_cast %mul3A_258 : i32 to index
      %get3A_259 = tpu.vector_load %arg9[%get3A] {strides = array<i32>} : memref<8000xi32, #tpu.memory_space<vmem>>, vector<16xi32>,
      %ge3A = vector.broadcast %mul3A_2 : i32 to vector<16xi32>
      %ge3A_260 = arith.cmpi sge, %get3A_259, %ge3A : vector<16xi32>
      %add3A_261 = arith.constant 26784 : i32
      %add3A_262 = arith.addi %mul3A_2, %add3A_261 : i32
      %lt3A = vector.broadcast %add3A_262 : i32 to vector<16xi32>
      %lt3A_263 = arith.cmpi slt, %get3A_259, %lt3A : vector<16xi32>
      %and3A_264 = arith.andi %ge3A_260, %lt3A_263 : vector<16xi1>
      %mul3A_265 = arith.constant 16 : i32
      %mul3A_266 = arith.muli %scan3A_255, %mul3A_265 : i32
      %add3A_267 = arith.constant 16000 : i32
      %add3A_268 = arith.addi %add3A_267, %mul3A_266 : i32
      %add3A_269 = arith.constant 1 : i32
      %add3A_270 = arith.addi %add3A_268, %add3A_269 : i32
      %add3A_271 = vector.broadcast %add3A_270 : i32 to vector<16xi32>
      %add3A_272 = arith.addi %add3A_271, %iota3A : vector<16xi32>
      %sub3A_273 = vector.broadcast %mul3A_2 : i32 to vector<16xi32>
      %sub3A_274 = arith.subi %get3A_259, %sub3A_273 : vector<16xi32>
      tpu.vector_store_idx %arg6[%sub3A_274], %add3A_272 masked %and3A_264 : memref<26784xi32, #tpu.memory_space<vmem>>[vector<16xi32>], vector<16xi32>, vector<16xi1>
      %scan3A_275 = arith.constant 0 : i32
      scf.yield %scan3A_275 : i32
    }
    %scan3A_56 = arith.constant 500 : i32
    %dma_wait3A_57 = arith.constant 24000 : i32
    %dma_wait3A_58 = tpu.memref_slice %arg2[%dma_wait3A_57] : memref<40000xi32, #tpu.memory_space<hbm>> -> memref<8000xi32, #tpu.memory_space<hbm>>
    %dma_wait3A_59 = arith.constant 24000 : i32
    %dma_wait3A_60 = tpu.memref_slice %arg2[%dma_wait3A_59] : memref<40000xi32, #tpu.memory_space<hbm>> -> memref<8000xi32, #tpu.memory_space<hbm>>
    tpu.wait_dma2 semaphore(%arg14 : memref<!tpu.dma_semaphore, #tpu.memory_space<semaphore_mem>>) src(%dma_wait3A_60 : memref<8000xi32, #tpu.memory_space<hbm>>) dst(%arg10 : memref<8000xi32, #tpu.memory_space<vmem>>)
    %dma_start3A_61 = arith.constant 32000 : i32
    %dma_start3A_62 = tpu.memref_slice %arg2[%dma_start3A_61] : memref<40000xi32, #tpu.memory_space<hbm>> -> memref<8000xi32, #tpu.memory_space<hbm>>
    %dma_start3A_63 = arith.constant 32000 : i32
    %dma_start3A_64 = tpu.memref_slice %arg2[%dma_start3A_63] : memref<40000xi32, #tpu.memory_space<hbm>> -> memref<8000xi32, #tpu.memory_space<hbm>>
    tpu.enqueue_dma source(%dma_start3A_64 : memref<8000xi32, #tpu.memory_space<hbm>>) target(%arg9 : memref<8000xi32, #tpu.memory_space<vmem>>) target_semaphore(%arg14 : memref<!tpu.dma_semaphore, #tpu.memory_space<semaphore_mem>>)
    %scan3A_65 = arith.constant 0 : i32
    %scan3A_66 = arith.constant 0 : i32
    %scan3A_67 = arith.constant 500 : i32
    %scan3A_68 = arith.addi %scan3A_66, %scan3A_67 : i32
    %scan3A_69 = arith.constant 1 : i32
    %scan3A_70 = scf.for %scan3A_255 = %scan3A_66 to %scan3A_68 step %scan3A_69 iter_args(%scan3A_256 = %scan3A_65) -> (i32)  : i32 {
      %mul3A_257 = arith.constant 16 : i32
      %mul3A_258 = arith.muli %scan3A_255, %mul3A_257 : i32
      %get3A = arith.index_cast %mul3A_258 : i32 to index
      %get3A_259 = tpu.vector_load %arg10[%get3A] {strides = array<i32>} : memref<8000xi32, #tpu.memory_space<vmem>>, vector<16xi32>,
      %ge3A = vector.broadcast %mul3A_2 : i32 to vector<16xi32>
      %ge3A_260 = arith.cmpi sge, %get3A_259, %ge3A : vector<16xi32>
      %add3A_261 = arith.constant 26784 : i32
      %add3A_262 = arith.addi %mul3A_2, %add3A_261 : i32
      %lt3A = vector.broadcast %add3A_262 : i32 to vector<16xi32>
      %lt3A_263 = arith.cmpi slt, %get3A_259, %lt3A : vector<16xi32>
      %and3A_264 = arith.andi %ge3A_260, %lt3A_263 : vector<16xi1>
      %mul3A_265 = arith.constant 16 : i32
      %mul3A_266 = arith.muli %scan3A_255, %mul3A_265 : i32
      %add3A_267 = arith.constant 24000 : i32
      %add3A_268 = arith.addi %add3A_267, %mul3A_266 : i32
      %add3A_269 = arith.constant 1 : i32
      %add3A_270 = arith.addi %add3A_268, %add3A_269 : i32
      %add3A_271 = vector.broadcast %add3A_270 : i32 to vector<16xi32>
      %add3A_272 = arith.addi %add3A_271, %iota3A : vector<16xi32>
      %sub3A_273 = vector.broadcast %mul3A_2 : i32 to vector<16xi32>
      %sub3A_274 = arith.subi %get3A_259, %sub3A_273 : vector<16xi32>
      tpu.vector_store_idx %arg6[%sub3A_274], %add3A_272 masked %and3A_264 : memref<26784xi32, #tpu.memory_space<vmem>>[vector<16xi32>], vector<16xi32>, vector<16xi1>
      %scan3A_275 = arith.constant 0 : i32
      scf.yield %scan3A_275 : i32
    }
    %scan3A_71 = arith.constant 500 : i32
    %dma_wait3A_72 = arith.constant 32000 : i32
    %dma_wait3A_73 = tpu.memref_slice %arg2[%dma_wait3A_72] : memref<40000xi32, #tpu.memory_space<hbm>> -> memref<8000xi32, #tpu.memory_space<hbm>>
    %dma_wait3A_74 = arith.constant 32000 : i32
    %dma_wait3A_75 = tpu.memref_slice %arg2[%dma_wait3A_74] : memref<40000xi32, #tpu.memory_space<hbm>> -> memref<8000xi32, #tpu.memory_space<hbm>>
    tpu.wait_dma2 semaphore(%arg14 : memref<!tpu.dma_semaphore, #tpu.memory_space<semaphore_mem>>) src(%dma_wait3A_75 : memref<8000xi32, #tpu.memory_space<hbm>>) dst(%arg9 : memref<8000xi32, #tpu.memory_space<vmem>>)
    %scan3A_76 = arith.constant 0 : i32
    %scan3A_77 = arith.constant 0 : i32
    %scan3A_78 = arith.constant 500 : i32
    %scan3A_79 = arith.addi %scan3A_77, %scan3A_78 : i32
    %scan3A_80 = arith.constant 1 : i32
    %scan3A_81 = scf.for %scan3A_255 = %scan3A_77 to %scan3A_79 step %scan3A_80 iter_args(%scan3A_256 = %scan3A_76) -> (i32)  : i32 {
      %mul3A_257 = arith.constant 16 : i32
      %mul3A_258 = arith.muli %scan3A_255, %mul3A_257 : i32
      %get3A = arith.index_cast %mul3A_258 : i32 to index
      %get3A_259 = tpu.vector_load %arg9[%get3A] {strides = array<i32>} : memref<8000xi32, #tpu.memory_space<vmem>>, vector<16xi32>,
      %ge3A = vector.broadcast %mul3A_2 : i32 to vector<16xi32>
      %ge3A_260 = arith.cmpi sge, %get3A_259, %ge3A : vector<16xi32>
      %add3A_261 = arith.constant 26784 : i32
      %add3A_262 = arith.addi %mul3A_2, %add3A_261 : i32
      %lt3A = vector.broadcast %add3A_262 : i32 to vector<16xi32>
      %lt3A_263 = arith.cmpi slt, %get3A_259, %lt3A : vector<16xi32>
      %and3A_264 = arith.andi %ge3A_260, %lt3A_263 : vector<16xi1>
      %mul3A_265 = arith.constant 16 : i32
      %mul3A_266 = arith.muli %scan3A_255, %mul3A_265 : i32
      %add3A_267 = arith.constant 32000 : i32
      %add3A_268 = arith.addi %add3A_267, %mul3A_266 : i32
      %add3A_269 = arith.constant 1 : i32
      %add3A_270 = arith.addi %add3A_268, %add3A_269 : i32
      %add3A_271 = vector.broadcast %add3A_270 : i32 to vector<16xi32>
      %add3A_272 = arith.addi %add3A_271, %iota3A : vector<16xi32>
      %sub3A_273 = vector.broadcast %mul3A_2 : i32 to vector<16xi32>
      %sub3A_274 = arith.subi %get3A_259, %sub3A_273 : vector<16xi32>
      tpu.vector_store_idx %arg6[%sub3A_274], %add3A_272 masked %and3A_264 : memref<26784xi32, #tpu.memory_space<vmem>>[vector<16xi32>], vector<16xi32>, vector<16xi1>
      %scan3A_275 = arith.constant 0 : i32
      scf.yield %scan3A_275 : i32
    }
    %scan3A_82 = arith.constant 500 : i32
    %scan3A_83 = arith.constant 0 : i32
    %scan3A_84 = arith.constant 0 : i32
    %scan3A_85 = arith.constant 1674 : i32
    %scan3A_86 = arith.addi %scan3A_84, %scan3A_85 : i32
    %scan3A_87 = arith.constant 1 : i32
    %scan3A_88 = scf.for %scan3A_255 = %scan3A_84 to %scan3A_86 step %scan3A_87 iter_args(%scan3A_256 = %scan3A_83) -> (i32)  : i32 {
      %mul3A_257 = arith.constant 16 : i32
      %mul3A_258 = arith.muli %scan3A_255, %mul3A_257 : i32
      %get3A = arith.index_cast %mul3A_258 : i32 to index
      %get3A_259 = tpu.vector_load %arg6[%get3A] {strides = array<i32>} : memref<26784xi32, #tpu.memory_space<vmem>>, vector<16xi32>,
      %gt3A = arith.constant 0 : i32
      %gt3A_260 = vector.broadcast %gt3A : i32 to vector<16xi32>
      %gt3A_261 = arith.cmpi sgt, %get3A_259, %gt3A_260 : vector<16xi32>
      %mul3A_262 = arith.constant 16 : i32
      %mul3A_263 = arith.muli %scan3A_255, %mul3A_262 : i32
      %add3A_264 = arith.addi %mul3A_2, %mul3A_263 : i32
      %add3A_265 = vector.broadcast %add3A_264 : i32 to vector<16xi32>
      %add3A_266 = arith.addi %add3A_265, %iota3A : vector<16xi32>
      %swap3A_267 = arith.index_cast %scan3A_256 : i32 to index
      %swap3A_268 = tpu.vector_load %arg7[%swap3A_267] masked %gt3A_261 {strides = array<i32>} : memref<27008xi32, #tpu.memory_space<vmem>>, vector<16xi32>, vector<16xi1>
      tpu.vector_store %arg7[%swap3A_267], %add3A_266 masked %gt3A_261 {strides = array<i32>} : memref<27008xi32, #tpu.memory_space<vmem>>, vector<16xi32>, vector<16xi1>
      %sub3A_269 = arith.constant 1 : i32
      %sub3A_270 = vector.broadcast %sub3A_269 : i32 to vector<16xi32>
      %sub3A_271 = arith.subi %get3A_259, %sub3A_270 : vector<16xi32>
      %swap3A_272 = arith.index_cast %scan3A_256 : i32 to index
      %swap3A_273 = tpu.vector_load %arg8[%swap3A_272] masked %gt3A_261 {strides = array<i32>} : memref<27008xi32, #tpu.memory_space<vmem>>, vector<16xi32>, vector<16xi1>
      tpu.vector_store %arg8[%swap3A_272], %sub3A_271 masked %gt3A_261 {strides = array<i32>} : memref<27008xi32, #tpu.memory_space<vmem>>, vector<16xi32>, vector<16xi1>
      %convert_element_type3A = arith.extui %gt3A_261 : vector<16xi1> to vector<16xi32>
      %reduce_sum3A = arith.constant true
      %reduce_sum3A_274 = vector.broadcast %reduce_sum3A : i1 to vector<16xi1>
      %reduce_sum3A_275 = tpu.scan <sum>, %convert_element_type3A masked %reduce_sum3A_274 : vector<16xi32>, vector<16xi1> -> vector<16xi32>
      %reduce_sum3A_276 = vector.extract %reduce_sum3A_275[15] : i32 from vector<16xi32>
      %add3A_277 = arith.addi %scan3A_256, %reduce_sum3A_276 : i32
      scf.yield %add3A_277 : i32
    }
    %scan3A_89 = arith.constant 1674 : i32
    %add3A_90 = arith.constant 0 : i32
    %add3A_91 = arith.addi %scan3A_88, %add3A_90 : i32
    %add3A_92 = arith.constant 0 : i32
    %add3A_93 = vector.broadcast %add3A_92 : i32 to vector<16xi32>
    %add3A_94 = arith.addi %add3A_93, %iota3A : vector<16xi32>
    %and3A = arith.constant 127 : i32
    %and3A_95 = vector.broadcast %and3A : i32 to vector<16xi32>
    %and3A_96 = arith.andi %add3A_94, %and3A_95 : vector<16xi32>
    %add3A_97 = arith.constant 857088 : i32
    %add3A_98 = vector.broadcast %add3A_97 : i32 to vector<16xi32>
    %add3A_99 = arith.addi %add3A_98, %and3A_96 : vector<16xi32>
    %swap3A = arith.index_cast %add3A_91 : i32 to index
    %swap3A_100 = tpu.vector_load %arg7[%swap3A] {strides = array<i32>} : memref<27008xi32, #tpu.memory_space<vmem>>, vector<16xi32>,
    tpu.vector_store %arg7[%swap3A], %add3A_99 {strides = array<i32>} : memref<27008xi32, #tpu.memory_space<vmem>>, vector<16xi32>,
    %swap3A_101 = arith.index_cast %add3A_91 : i32 to index
    %swap3A_102 = tpu.vector_load %arg8[%swap3A_101] {strides = array<i32>} : memref<27008xi32, #tpu.memory_space<vmem>>, vector<16xi32>,
    tpu.vector_store %arg8[%swap3A_101], %broadcast_in_dim3A_3 {strides = array<i32>} : memref<27008xi32, #tpu.memory_space<vmem>>, vector<16xi32>,
    %add3A_103 = arith.constant 16 : i32
    %add3A_104 = arith.addi %scan3A_88, %add3A_103 : i32
    %add3A_105 = arith.constant 16 : i32
    %add3A_106 = vector.broadcast %add3A_105 : i32 to vector<16xi32>
    %add3A_107 = arith.addi %add3A_106, %iota3A : vector<16xi32>
    %and3A_108 = arith.constant 127 : i32
    %and3A_109 = vector.broadcast %and3A_108 : i32 to vector<16xi32>
    %and3A_110 = arith.andi %add3A_107, %and3A_109 : vector<16xi32>
    %add3A_111 = arith.constant 857088 : i32
    %add3A_112 = vector.broadcast %add3A_111 : i32 to vector<16xi32>
    %add3A_113 = arith.addi %add3A_112, %and3A_110 : vector<16xi32>
    %swap3A_114 = arith.index_cast %add3A_104 : i32 to index
    %swap3A_115 = tpu.vector_load %arg7[%swap3A_114] {strides = array<i32>} : memref<27008xi32, #tpu.memory_space<vmem>>, vector<16xi32>,
    tpu.vector_store %arg7[%swap3A_114], %add3A_113 {strides = array<i32>} : memref<27008xi32, #tpu.memory_space<vmem>>, vector<16xi32>,
    %swap3A_116 = arith.index_cast %add3A_104 : i32 to index
    %swap3A_117 = tpu.vector_load %arg8[%swap3A_116] {strides = array<i32>} : memref<27008xi32, #tpu.memory_space<vmem>>, vector<16xi32>,
    tpu.vector_store %arg8[%swap3A_116], %broadcast_in_dim3A_3 {strides = array<i32>} : memref<27008xi32, #tpu.memory_space<vmem>>, vector<16xi32>,
    %add3A_118 = arith.constant 32 : i32
    %add3A_119 = arith.addi %scan3A_88, %add3A_118 : i32
    %add3A_120 = arith.constant 32 : i32
    %add3A_121 = vector.broadcast %add3A_120 : i32 to vector<16xi32>
    %add3A_122 = arith.addi %add3A_121, %iota3A : vector<16xi32>
    %and3A_123 = arith.constant 127 : i32
    %and3A_124 = vector.broadcast %and3A_123 : i32 to vector<16xi32>
    %and3A_125 = arith.andi %add3A_122, %and3A_124 : vector<16xi32>
    %add3A_126 = arith.constant 857088 : i32
    %add3A_127 = vector.broadcast %add3A_126 : i32 to vector<16xi32>
    %add3A_128 = arith.addi %add3A_127, %and3A_125 : vector<16xi32>
    %swap3A_129 = arith.index_cast %add3A_119 : i32 to index
    %swap3A_130 = tpu.vector_load %arg7[%swap3A_129] {strides = array<i32>} : memref<27008xi32, #tpu.memory_space<vmem>>, vector<16xi32>,
    tpu.vector_store %arg7[%swap3A_129], %add3A_128 {strides = array<i32>} : memref<27008xi32, #tpu.memory_space<vmem>>, vector<16xi32>,
    %swap3A_131 = arith.index_cast %add3A_119 : i32 to index
    %swap3A_132 = tpu.vector_load %arg8[%swap3A_131] {strides = array<i32>} : memref<27008xi32, #tpu.memory_space<vmem>>, vector<16xi32>,
    tpu.vector_store %arg8[%swap3A_131], %broadcast_in_dim3A_3 {strides = array<i32>} : memref<27008xi32, #tpu.memory_space<vmem>>, vector<16xi32>,
    %add3A_133 = arith.constant 48 : i32
    %add3A_134 = arith.addi %scan3A_88, %add3A_133 : i32
    %add3A_135 = arith.constant 48 : i32
    %add3A_136 = vector.broadcast %add3A_135 : i32 to vector<16xi32>
    %add3A_137 = arith.addi %add3A_136, %iota3A : vector<16xi32>
    %and3A_138 = arith.constant 127 : i32
    %and3A_139 = vector.broadcast %and3A_138 : i32 to vector<16xi32>
    %and3A_140 = arith.andi %add3A_137, %and3A_139 : vector<16xi32>
    %add3A_141 = arith.constant 857088 : i32
    %add3A_142 = vector.broadcast %add3A_141 : i32 to vector<16xi32>
    %add3A_143 = arith.addi %add3A_142, %and3A_140 : vector<16xi32>
    %swap3A_144 = arith.index_cast %add3A_134 : i32 to index
    %swap3A_145 = tpu.vector_load %arg7[%swap3A_144] {strides = array<i32>} : memref<27008xi32, #tpu.memory_space<vmem>>, vector<16xi32>,
    tpu.vector_store %arg7[%swap3A_144], %add3A_143 {strides = array<i32>} : memref<27008xi32, #tpu.memory_space<vmem>>, vector<16xi32>,
    %swap3A_146 = arith.index_cast %add3A_134 : i32 to index
    %swap3A_147 = tpu.vector_load %arg8[%swap3A_146] {strides = array<i32>} : memref<27008xi32, #tpu.memory_space<vmem>>, vector<16xi32>,
    tpu.vector_store %arg8[%swap3A_146], %broadcast_in_dim3A_3 {strides = array<i32>} : memref<27008xi32, #tpu.memory_space<vmem>>, vector<16xi32>,
    %add3A_148 = arith.constant 64 : i32
    %add3A_149 = arith.addi %scan3A_88, %add3A_148 : i32
    %add3A_150 = arith.constant 64 : i32
    %add3A_151 = vector.broadcast %add3A_150 : i32 to vector<16xi32>
    %add3A_152 = arith.addi %add3A_151, %iota3A : vector<16xi32>
    %and3A_153 = arith.constant 127 : i32
    %and3A_154 = vector.broadcast %and3A_153 : i32 to vector<16xi32>
    %and3A_155 = arith.andi %add3A_152, %and3A_154 : vector<16xi32>
    %add3A_156 = arith.constant 857088 : i32
    %add3A_157 = vector.broadcast %add3A_156 : i32 to vector<16xi32>
    %add3A_158 = arith.addi %add3A_157, %and3A_155 : vector<16xi32>
    %swap3A_159 = arith.index_cast %add3A_149 : i32 to index
    %swap3A_160 = tpu.vector_load %arg7[%swap3A_159] {strides = array<i32>} : memref<27008xi32, #tpu.memory_space<vmem>>, vector<16xi32>,
    tpu.vector_store %arg7[%swap3A_159], %add3A_158 {strides = array<i32>} : memref<27008xi32, #tpu.memory_space<vmem>>, vector<16xi32>,
    %swap3A_161 = arith.index_cast %add3A_149 : i32 to index
    %swap3A_162 = tpu.vector_load %arg8[%swap3A_161] {strides = array<i32>} : memref<27008xi32, #tpu.memory_space<vmem>>, vector<16xi32>,
    tpu.vector_store %arg8[%swap3A_161], %broadcast_in_dim3A_3 {strides = array<i32>} : memref<27008xi32, #tpu.memory_space<vmem>>, vector<16xi32>,
    %add3A_163 = arith.constant 80 : i32
    %add3A_164 = arith.addi %scan3A_88, %add3A_163 : i32
    %add3A_165 = arith.constant 80 : i32
    %add3A_166 = vector.broadcast %add3A_165 : i32 to vector<16xi32>
    %add3A_167 = arith.addi %add3A_166, %iota3A : vector<16xi32>
    %and3A_168 = arith.constant 127 : i32
    %and3A_169 = vector.broadcast %and3A_168 : i32 to vector<16xi32>
    %and3A_170 = arith.andi %add3A_167, %and3A_169 : vector<16xi32>
    %add3A_171 = arith.constant 857088 : i32
    %add3A_172 = vector.broadcast %add3A_171 : i32 to vector<16xi32>
    %add3A_173 = arith.addi %add3A_172, %and3A_170 : vector<16xi32>
    %swap3A_174 = arith.index_cast %add3A_164 : i32 to index
    %swap3A_175 = tpu.vector_load %arg7[%swap3A_174] {strides = array<i32>} : memref<27008xi32, #tpu.memory_space<vmem>>, vector<16xi32>,
    tpu.vector_store %arg7[%swap3A_174], %add3A_173 {strides = array<i32>} : memref<27008xi32, #tpu.memory_space<vmem>>, vector<16xi32>,
    %swap3A_176 = arith.index_cast %add3A_164 : i32 to index
    %swap3A_177 = tpu.vector_load %arg8[%swap3A_176] {strides = array<i32>} : memref<27008xi32, #tpu.memory_space<vmem>>, vector<16xi32>,
    tpu.vector_store %arg8[%swap3A_176], %broadcast_in_dim3A_3 {strides = array<i32>} : memref<27008xi32, #tpu.memory_space<vmem>>, vector<16xi32>,
    %add3A_178 = arith.constant 96 : i32
    %add3A_179 = arith.addi %scan3A_88, %add3A_178 : i32
    %add3A_180 = arith.constant 96 : i32
    %add3A_181 = vector.broadcast %add3A_180 : i32 to vector<16xi32>
    %add3A_182 = arith.addi %add3A_181, %iota3A : vector<16xi32>
    %and3A_183 = arith.constant 127 : i32
    %and3A_184 = vector.broadcast %and3A_183 : i32 to vector<16xi32>
    %and3A_185 = arith.andi %add3A_182, %and3A_184 : vector<16xi32>
    %add3A_186 = arith.constant 857088 : i32
    %add3A_187 = vector.broadcast %add3A_186 : i32 to vector<16xi32>
    %add3A_188 = arith.addi %add3A_187, %and3A_185 : vector<16xi32>
    %swap3A_189 = arith.index_cast %add3A_179 : i32 to index
    %swap3A_190 = tpu.vector_load %arg7[%swap3A_189] {strides = array<i32>} : memref<27008xi32, #tpu.memory_space<vmem>>, vector<16xi32>,
    tpu.vector_store %arg7[%swap3A_189], %add3A_188 {strides = array<i32>} : memref<27008xi32, #tpu.memory_space<vmem>>, vector<16xi32>,
    %swap3A_191 = arith.index_cast %add3A_179 : i32 to index
    %swap3A_192 = tpu.vector_load %arg8[%swap3A_191] {strides = array<i32>} : memref<27008xi32, #tpu.memory_space<vmem>>, vector<16xi32>,
    tpu.vector_store %arg8[%swap3A_191], %broadcast_in_dim3A_3 {strides = array<i32>} : memref<27008xi32, #tpu.memory_space<vmem>>, vector<16xi32>,
    %add3A_193 = arith.constant 112 : i32
    %add3A_194 = arith.addi %scan3A_88, %add3A_193 : i32
    %add3A_195 = arith.constant 112 : i32
    %add3A_196 = vector.broadcast %add3A_195 : i32 to vector<16xi32>
    %add3A_197 = arith.addi %add3A_196, %iota3A : vector<16xi32>
    %and3A_198 = arith.constant 127 : i32
    %and3A_199 = vector.broadcast %and3A_198 : i32 to vector<16xi32>
    %and3A_200 = arith.andi %add3A_197, %and3A_199 : vector<16xi32>
    %add3A_201 = arith.constant 857088 : i32
    %add3A_202 = vector.broadcast %add3A_201 : i32 to vector<16xi32>
    %add3A_203 = arith.addi %add3A_202, %and3A_200 : vector<16xi32>
    %swap3A_204 = arith.index_cast %add3A_194 : i32 to index
    %swap3A_205 = tpu.vector_load %arg7[%swap3A_204] {strides = array<i32>} : memref<27008xi32, #tpu.memory_space<vmem>>, vector<16xi32>,
    tpu.vector_store %arg7[%swap3A_204], %add3A_203 {strides = array<i32>} : memref<27008xi32, #tpu.memory_space<vmem>>, vector<16xi32>,
    %swap3A_206 = arith.index_cast %add3A_194 : i32 to index
    %swap3A_207 = tpu.vector_load %arg8[%swap3A_206] {strides = array<i32>} : memref<27008xi32, #tpu.memory_space<vmem>>, vector<16xi32>,
    tpu.vector_store %arg8[%swap3A_206], %broadcast_in_dim3A_3 {strides = array<i32>} : memref<27008xi32, #tpu.memory_space<vmem>>, vector<16xi32>,
    %add3A_208 = arith.constant 128 : i32
    %add3A_209 = arith.addi %scan3A_88, %add3A_208 : i32
    %add3A_210 = arith.constant 128 : i32
    %add3A_211 = vector.broadcast %add3A_210 : i32 to vector<16xi32>
    %add3A_212 = arith.addi %add3A_211, %iota3A : vector<16xi32>
    %and3A_213 = arith.constant 127 : i32
    %and3A_214 = vector.broadcast %and3A_213 : i32 to vector<16xi32>
    %and3A_215 = arith.andi %add3A_212, %and3A_214 : vector<16xi32>
    %add3A_216 = arith.constant 857088 : i32
    %add3A_217 = vector.broadcast %add3A_216 : i32 to vector<16xi32>
    %add3A_218 = arith.addi %add3A_217, %and3A_215 : vector<16xi32>
    %swap3A_219 = arith.index_cast %add3A_209 : i32 to index
    %swap3A_220 = tpu.vector_load %arg7[%swap3A_219] {strides = array<i32>} : memref<27008xi32, #tpu.memory_space<vmem>>, vector<16xi32>,
    tpu.vector_store %arg7[%swap3A_219], %add3A_218 {strides = array<i32>} : memref<27008xi32, #tpu.memory_space<vmem>>, vector<16xi32>,
    %swap3A_221 = arith.index_cast %add3A_209 : i32 to index
    %swap3A_222 = tpu.vector_load %arg8[%swap3A_221] {strides = array<i32>} : memref<27008xi32, #tpu.memory_space<vmem>>, vector<16xi32>,
    tpu.vector_store %arg8[%swap3A_221], %broadcast_in_dim3A_3 {strides = array<i32>} : memref<27008xi32, #tpu.memory_space<vmem>>, vector<16xi32>,
    %add3A_223 = arith.constant 128 : i32
    %add3A_224 = arith.addi %scan3A_88, %add3A_223 : i32
    %sub3A = arith.constant 1 : i32
    %sub3A_225 = arith.subi %add3A_224, %sub3A : i32
    %jit3A = arith.constant 128 : i32
    %div3A = arith.divsi %sub3A_225, %jit3A : i32
    %sign3A = arith.constant 0 : i32
    %sign3A_226 = arith.cmpi sgt, %sub3A_225, %sign3A : i32
    %sign3A_227 = arith.extui %sign3A_226 : i1 to i32
    %sign3A_228 = arith.constant 0 : i32
    %sign3A_229 = arith.cmpi slt, %sub3A_225, %sign3A_228 : i32
    %sign3A_230 = arith.extui %sign3A_229 : i1 to i32
    %sign3A_231 = arith.subi %sign3A_227, %sign3A_230 : i32
    %sign3A_232 = arith.constant 0 : i32
    %sign3A_233 = arith.cmpi sgt, %jit3A, %sign3A_232 : i32
    %sign3A_234 = arith.extui %sign3A_233 : i1 to i32
    %sign3A_235 = arith.constant 0 : i32
    %sign3A_236 = arith.cmpi slt, %jit3A, %sign3A_235 : i32
    %sign3A_237 = arith.extui %sign3A_236 : i1 to i32
    %sign3A_238 = arith.subi %sign3A_234, %sign3A_237 : i32
    %ne3A = arith.cmpi ne, %sign3A_231, %sign3A_238 : i32
    %rem3A = arith.remsi %sub3A_225, %jit3A : i32
    %ne3A_239 = arith.constant 0 : i32
    %ne3A_240 = arith.cmpi ne, %rem3A, %ne3A_239 : i32
    %and3A_241 = arith.andi %ne3A, %ne3A_240 : i1
    %sub3A_242 = arith.constant 1 : i32
    %sub3A_243 = arith.subi %div3A, %sub3A_242 : i32
    %select_n3A = arith.select %and3A_241, %sub3A_243, %div3A : i32
    %while3A = arith.constant 0 : i32
    %while3A_244 = arith.constant 0 : i32
    %while3A_245 = arith.subi %select_n3A, %while3A : i32
    %while3A_246 = arith.addi %while3A, %while3A_245 : i32
    %while3A_247 = arith.constant 1 : i32
    %while3A_248 = arith.divsi %while3A_245, %while3A_247 : i32
    %while3A_249 = arith.muli %while3A_248, %while3A_247 : i32
    %while3A_250 = arith.addi %while3A, %while3A_249 : i32
    %while3A_251 = arith.constant 1 : i32
    %while3A_252 = scf.for %while3A_255 = %while3A to %while3A_250 step %while3A_251 iter_args(%while3A_256 = %while3A_244) -> (i32)  : i32 {
      %mul3A_257 = arith.constant 128 : i32
      %mul3A_258 = arith.muli %while3A_255, %mul3A_257 : i32
      %add3A_259 = arith.constant 0 : i32
      %add3A_260 = arith.addi %mul3A_258, %add3A_259 : i32
      %get3A = arith.index_cast %add3A_260 : i32 to index
      %get3A_261 = tpu.vector_load %arg7[%get3A] {strides = array<i32>} : memref<27008xi32, #tpu.memory_space<vmem>>, vector<16xi32>,
      %swap3A_262 = arith.constant 0 : index
      %swap3A_263 = tpu.vector_load %arg11[%swap3A_262] {strides = array<i32>} : memref<128xi32, #tpu.memory_space<vmem>>, vector<16xi32>,
      tpu.vector_store %arg11[%swap3A_262], %get3A_261 {strides = array<i32>} : memref<128xi32, #tpu.memory_space<vmem>>, vector<16xi32>,
      %mul3A_264 = arith.constant 128 : i32
      %mul3A_265 = arith.muli %while3A_255, %mul3A_264 : i32
      %add3A_266 = arith.constant 0 : i32
      %add3A_267 = arith.addi %mul3A_265, %add3A_266 : i32
      %get3A_268 = arith.index_cast %add3A_267 : i32 to index
      %get3A_269 = tpu.vector_load %arg8[%get3A_268] {strides = array<i32>} : memref<27008xi32, #tpu.memory_space<vmem>>, vector<16xi32>,
      %swap3A_270 = arith.constant 0 : index
      %swap3A_271 = tpu.vector_load %arg12[%swap3A_270] {strides = array<i32>} : memref<128xi32, #tpu.memory_space<vmem>>, vector<16xi32>,
      tpu.vector_store %arg12[%swap3A_270], %get3A_269 {strides = array<i32>} : memref<128xi32, #tpu.memory_space<vmem>>, vector<16xi32>,
      %mul3A_272 = arith.constant 128 : i32
      %mul3A_273 = arith.muli %while3A_255, %mul3A_272 : i32
      %add3A_274 = arith.constant 16 : i32
      %add3A_275 = arith.addi %mul3A_273, %add3A_274 : i32
      %get3A_276 = arith.index_cast %add3A_275 : i32 to index
      %get3A_277 = tpu.vector_load %arg7[%get3A_276] {strides = array<i32>} : memref<27008xi32, #tpu.memory_space<vmem>>, vector<16xi32>,
      %swap3A_278 = arith.constant 16 : index
      %swap3A_279 = tpu.vector_load %arg11[%swap3A_278] {strides = array<i32>} : memref<128xi32, #tpu.memory_space<vmem>>, vector<16xi32>,
      tpu.vector_store %arg11[%swap3A_278], %get3A_277 {strides = array<i32>} : memref<128xi32, #tpu.memory_space<vmem>>, vector<16xi32>,
      %mul3A_280 = arith.constant 128 : i32
      %mul3A_281 = arith.muli %while3A_255, %mul3A_280 : i32
      %add3A_282 = arith.constant 16 : i32
      %add3A_283 = arith.addi %mul3A_281, %add3A_282 : i32
      %get3A_284 = arith.index_cast %add3A_283 : i32 to index
      %get3A_285 = tpu.vector_load %arg8[%get3A_284] {strides = array<i32>} : memref<27008xi32, #tpu.memory_space<vmem>>, vector<16xi32>,
      %swap3A_286 = arith.constant 16 : index
      %swap3A_287 = tpu.vector_load %arg12[%swap3A_286] {strides = array<i32>} : memref<128xi32, #tpu.memory_space<vmem>>, vector<16xi32>,
      tpu.vector_store %arg12[%swap3A_286], %get3A_285 {strides = array<i32>} : memref<128xi32, #tpu.memory_space<vmem>>, vector<16xi32>,
      %mul3A_288 = arith.constant 128 : i32
      %mul3A_289 = arith.muli %while3A_255, %mul3A_288 : i32
      %add3A_290 = arith.constant 32 : i32
      %add3A_291 = arith.addi %mul3A_289, %add3A_290 : i32
      %get3A_292 = arith.index_cast %add3A_291 : i32 to index
      %get3A_293 = tpu.vector_load %arg7[%get3A_292] {strides = array<i32>} : memref<27008xi32, #tpu.memory_space<vmem>>, vector<16xi32>,
      %swap3A_294 = arith.constant 32 : index
      %swap3A_295 = tpu.vector_load %arg11[%swap3A_294] {strides = array<i32>} : memref<128xi32, #tpu.memory_space<vmem>>, vector<16xi32>,
      tpu.vector_store %arg11[%swap3A_294], %get3A_293 {strides = array<i32>} : memref<128xi32, #tpu.memory_space<vmem>>, vector<16xi32>,
      %mul3A_296 = arith.constant 128 : i32
      %mul3A_297 = arith.muli %while3A_255, %mul3A_296 : i32
      %add3A_298 = arith.constant 32 : i32
      %add3A_299 = arith.addi %mul3A_297, %add3A_298 : i32
      %get3A_300 = arith.index_cast %add3A_299 : i32 to index
      %get3A_301 = tpu.vector_load %arg8[%get3A_300] {strides = array<i32>} : memref<27008xi32, #tpu.memory_space<vmem>>, vector<16xi32>,
      %swap3A_302 = arith.constant 32 : index
      %swap3A_303 = tpu.vector_load %arg12[%swap3A_302] {strides = array<i32>} : memref<128xi32, #tpu.memory_space<vmem>>, vector<16xi32>,
      tpu.vector_store %arg12[%swap3A_302], %get3A_301 {strides = array<i32>} : memref<128xi32, #tpu.memory_space<vmem>>, vector<16xi32>,
      %mul3A_304 = arith.constant 128 : i32
      %mul3A_305 = arith.muli %while3A_255, %mul3A_304 : i32
      %add3A_306 = arith.constant 48 : i32
      %add3A_307 = arith.addi %mul3A_305, %add3A_306 : i32
      %get3A_308 = arith.index_cast %add3A_307 : i32 to index
      %get3A_309 = tpu.vector_load %arg7[%get3A_308] {strides = array<i32>} : memref<27008xi32, #tpu.memory_space<vmem>>, vector<16xi32>,
      %swap3A_310 = arith.constant 48 : index
      %swap3A_311 = tpu.vector_load %arg11[%swap3A_310] {strides = array<i32>} : memref<128xi32, #tpu.memory_space<vmem>>, vector<16xi32>,
      tpu.vector_store %arg11[%swap3A_310], %get3A_309 {strides = array<i32>} : memref<128xi32, #tpu.memory_space<vmem>>, vector<16xi32>,
      %mul3A_312 = arith.constant 128 : i32
      %mul3A_313 = arith.muli %while3A_255, %mul3A_312 : i32
      %add3A_314 = arith.constant 48 : i32
      %add3A_315 = arith.addi %mul3A_313, %add3A_314 : i32
      %get3A_316 = arith.index_cast %add3A_315 : i32 to index
      %get3A_317 = tpu.vector_load %arg8[%get3A_316] {strides = array<i32>} : memref<27008xi32, #tpu.memory_space<vmem>>, vector<16xi32>,
      %swap3A_318 = arith.constant 48 : index
      %swap3A_319 = tpu.vector_load %arg12[%swap3A_318] {strides = array<i32>} : memref<128xi32, #tpu.memory_space<vmem>>, vector<16xi32>,
      tpu.vector_store %arg12[%swap3A_318], %get3A_317 {strides = array<i32>} : memref<128xi32, #tpu.memory_space<vmem>>, vector<16xi32>,
      %mul3A_320 = arith.constant 128 : i32
      %mul3A_321 = arith.muli %while3A_255, %mul3A_320 : i32
      %add3A_322 = arith.constant 64 : i32
      %add3A_323 = arith.addi %mul3A_321, %add3A_322 : i32
      %get3A_324 = arith.index_cast %add3A_323 : i32 to index
      %get3A_325 = tpu.vector_load %arg7[%get3A_324] {strides = array<i32>} : memref<27008xi32, #tpu.memory_space<vmem>>, vector<16xi32>,
      %swap3A_326 = arith.constant 64 : index
      %swap3A_327 = tpu.vector_load %arg11[%swap3A_326] {strides = array<i32>} : memref<128xi32, #tpu.memory_space<vmem>>, vector<16xi32>,
      tpu.vector_store %arg11[%swap3A_326], %get3A_325 {strides = array<i32>} : memref<128xi32, #tpu.memory_space<vmem>>, vector<16xi32>,
      %mul3A_328 = arith.constant 128 : i32
      %mul3A_329 = arith.muli %while3A_255, %mul3A_328 : i32
      %add3A_330 = arith.constant 64 : i32
      %add3A_331 = arith.addi %mul3A_329, %add3A_330 : i32
      %get3A_332 = arith.index_cast %add3A_331 : i32 to index
      %get3A_333 = tpu.vector_load %arg8[%get3A_332] {strides = array<i32>} : memref<27008xi32, #tpu.memory_space<vmem>>, vector<16xi32>,
      %swap3A_334 = arith.constant 64 : index
      %swap3A_335 = tpu.vector_load %arg12[%swap3A_334] {strides = array<i32>} : memref<128xi32, #tpu.memory_space<vmem>>, vector<16xi32>,
      tpu.vector_store %arg12[%swap3A_334], %get3A_333 {strides = array<i32>} : memref<128xi32, #tpu.memory_space<vmem>>, vector<16xi32>,
      %mul3A_336 = arith.constant 128 : i32
      %mul3A_337 = arith.muli %while3A_255, %mul3A_336 : i32
      %add3A_338 = arith.constant 80 : i32
      %add3A_339 = arith.addi %mul3A_337, %add3A_338 : i32
      %get3A_340 = arith.index_cast %add3A_339 : i32 to index
      %get3A_341 = tpu.vector_load %arg7[%get3A_340] {strides = array<i32>} : memref<27008xi32, #tpu.memory_space<vmem>>, vector<16xi32>,
      %swap3A_342 = arith.constant 80 : index
      %swap3A_343 = tpu.vector_load %arg11[%swap3A_342] {strides = array<i32>} : memref<128xi32, #tpu.memory_space<vmem>>, vector<16xi32>,
      tpu.vector_store %arg11[%swap3A_342], %get3A_341 {strides = array<i32>} : memref<128xi32, #tpu.memory_space<vmem>>, vector<16xi32>,
      %mul3A_344 = arith.constant 128 : i32
      %mul3A_345 = arith.muli %while3A_255, %mul3A_344 : i32
      %add3A_346 = arith.constant 80 : i32
      %add3A_347 = arith.addi %mul3A_345, %add3A_346 : i32
      %get3A_348 = arith.index_cast %add3A_347 : i32 to index
      %get3A_349 = tpu.vector_load %arg8[%get3A_348] {strides = array<i32>} : memref<27008xi32, #tpu.memory_space<vmem>>, vector<16xi32>,
      %swap3A_350 = arith.constant 80 : index
      %swap3A_351 = tpu.vector_load %arg12[%swap3A_350] {strides = array<i32>} : memref<128xi32, #tpu.memory_space<vmem>>, vector<16xi32>,
      tpu.vector_store %arg12[%swap3A_350], %get3A_349 {strides = array<i32>} : memref<128xi32, #tpu.memory_space<vmem>>, vector<16xi32>,
      %mul3A_352 = arith.constant 128 : i32
      %mul3A_353 = arith.muli %while3A_255, %mul3A_352 : i32
      %add3A_354 = arith.constant 96 : i32
      %add3A_355 = arith.addi %mul3A_353, %add3A_354 : i32
      %get3A_356 = arith.index_cast %add3A_355 : i32 to index
      %get3A_357 = tpu.vector_load %arg7[%get3A_356] {strides = array<i32>} : memref<27008xi32, #tpu.memory_space<vmem>>, vector<16xi32>,
      %swap3A_358 = arith.constant 96 : index
      %swap3A_359 = tpu.vector_load %arg11[%swap3A_358] {strides = array<i32>} : memref<128xi32, #tpu.memory_space<vmem>>, vector<16xi32>,
      tpu.vector_store %arg11[%swap3A_358], %get3A_357 {strides = array<i32>} : memref<128xi32, #tpu.memory_space<vmem>>, vector<16xi32>,
      %mul3A_360 = arith.constant 128 : i32
      %mul3A_361 = arith.muli %while3A_255, %mul3A_360 : i32
      %add3A_362 = arith.constant 96 : i32
      %add3A_363 = arith.addi %mul3A_361, %add3A_362 : i32
      %get3A_364 = arith.index_cast %add3A_363 : i32 to index
      %get3A_365 = tpu.vector_load %arg8[%get3A_364] {strides = array<i32>} : memref<27008xi32, #tpu.memory_space<vmem>>, vector<16xi32>,
      %swap3A_366 = arith.constant 96 : index
      %swap3A_367 = tpu.vector_load %arg12[%swap3A_366] {strides = array<i32>} : memref<128xi32, #tpu.memory_space<vmem>>, vector<16xi32>,
      tpu.vector_store %arg12[%swap3A_366], %get3A_365 {strides = array<i32>} : memref<128xi32, #tpu.memory_space<vmem>>, vector<16xi32>,
      %mul3A_368 = arith.constant 128 : i32
      %mul3A_369 = arith.muli %while3A_255, %mul3A_368 : i32
      %add3A_370 = arith.constant 112 : i32
      %add3A_371 = arith.addi %mul3A_369, %add3A_370 : i32
      %get3A_372 = arith.index_cast %add3A_371 : i32 to index
      %get3A_373 = tpu.vector_load %arg7[%get3A_372] {strides = array<i32>} : memref<27008xi32, #tpu.memory_space<vmem>>, vector<16xi32>,
      %swap3A_374 = arith.constant 112 : index
      %swap3A_375 = tpu.vector_load %arg11[%swap3A_374] {strides = array<i32>} : memref<128xi32, #tpu.memory_space<vmem>>, vector<16xi32>,
      tpu.vector_store %arg11[%swap3A_374], %get3A_373 {strides = array<i32>} : memref<128xi32, #tpu.memory_space<vmem>>, vector<16xi32>,
      %mul3A_376 = arith.constant 128 : i32
      %mul3A_377 = arith.muli %while3A_255, %mul3A_376 : i32
      %add3A_378 = arith.constant 112 : i32
      %add3A_379 = arith.addi %mul3A_377, %add3A_378 : i32
      %get3A_380 = arith.index_cast %add3A_379 : i32 to index
      %get3A_381 = tpu.vector_load %arg8[%get3A_380] {strides = array<i32>} : memref<27008xi32, #tpu.memory_space<vmem>>, vector<16xi32>,
      %swap3A_382 = arith.constant 112 : index
      %swap3A_383 = tpu.vector_load %arg12[%swap3A_382] {strides = array<i32>} : memref<128xi32, #tpu.memory_space<vmem>>, vector<16xi32>,
      tpu.vector_store %arg12[%swap3A_382], %get3A_381 {strides = array<i32>} : memref<128xi32, #tpu.memory_space<vmem>>, vector<16xi32>,
      %dma_start3A_384 = arith.constant 0 : i32
      %dma_start3A_385 = arith.constant 0 : i32
      %dma_start3A_386 = tpu.memref_slice %arg3[%dma_start3A_384, %dma_start3A_385] : memref<40000x128xf32, #tpu.memory_space<hbm>> -> memref<40000x128xf32, #tpu.memory_space<hbm>>
      tpu.enqueue_indirect_dma source(%dma_start3A_386 : memref<40000x128xf32, #tpu.memory_space<hbm>>) target(%arg13 : memref<128x128xf32, #tpu.memory_space<vmem>>) offsets(%arg12 : memref<128xi32, #tpu.memory_space<vmem>>) semaphore(%arg14 : memref<!tpu.dma_semaphore, #tpu.memory_space<semaphore_mem>>)
      %dma_wait3A_387 = arith.constant 0 : i32
      %dma_wait3A_388 = arith.constant 0 : i32
      %dma_wait3A_389 = tpu.memref_slice %arg3[%dma_wait3A_387, %dma_wait3A_388] : memref<40000x128xf32, #tpu.memory_space<hbm>> -> memref<40000x128xf32, #tpu.memory_space<hbm>>
      tpu.wait_indirect_dma semaphore(%arg14 : memref<!tpu.dma_semaphore, #tpu.memory_space<semaphore_mem>>) src(%dma_wait3A_389 : memref<40000x128xf32, #tpu.memory_space<hbm>>) dst(%arg13 : memref<128x128xf32, #tpu.memory_space<vmem>>)
      %dma_start3A_390 = arith.constant 0 : i32
      %dma_start3A_391 = arith.constant 0 : i32
      %dma_start3A_392 = tpu.memref_slice %arg4[%dma_start3A_390, %dma_start3A_391] : memref<864000x128xf32, #tpu.memory_space<hbm>> -> memref<864000x128xf32, #tpu.memory_space<hbm>>
      tpu.enqueue_indirect_dma source(%arg13 : memref<128x128xf32, #tpu.memory_space<vmem>>) target(%dma_start3A_392 : memref<864000x128xf32, #tpu.memory_space<hbm>>) offsets(%arg11 : memref<128xi32, #tpu.memory_space<vmem>>) semaphore(%arg15 : memref<!tpu.dma_semaphore, #tpu.memory_space<semaphore_mem>>)
      %dma_wait3A_393 = arith.constant 0 : i32
      %dma_wait3A_394 = arith.constant 0 : i32
      %dma_wait3A_395 = tpu.memref_slice %arg4[%dma_wait3A_393, %dma_wait3A_394] : memref<864000x128xf32, #tpu.memory_space<hbm>> -> memref<864000x128xf32, #tpu.memory_space<hbm>>
      tpu.wait_indirect_dma semaphore(%arg15 : memref<!tpu.dma_semaphore, #tpu.memory_space<semaphore_mem>>) src(%arg13 : memref<128x128xf32, #tpu.memory_space<vmem>>) dst(%dma_wait3A_395 : memref<864000x128xf32, #tpu.memory_space<hbm>>)
      %while3A_396 = arith.constant 0 : i32
      scf.yield %while3A_396 : i32
    }
    %while3A_253 = arith.constant 1 : i32
    %while3A_254 = scf.for %while3A_255 = %while3A_250 to %while3A_246 step %while3A_253 iter_args(%while3A_256 = %while3A_252) -> (i32)  : i32 {
      %mul3A_257 = arith.constant 128 : i32
      %mul3A_258 = arith.muli %while3A_255, %mul3A_257 : i32
      %add3A_259 = arith.constant 0 : i32
      %add3A_260 = arith.addi %mul3A_258, %add3A_259 : i32
      %get3A = arith.index_cast %add3A_260 : i32 to index
      %get3A_261 = tpu.vector_load %arg7[%get3A] {strides = array<i32>} : memref<27008xi32, #tpu.memory_space<vmem>>, vector<16xi32>,
      %swap3A_262 = arith.constant 0 : index
      %swap3A_263 = tpu.vector_load %arg11[%swap3A_262] {strides = array<i32>} : memref<128xi32, #tpu.memory_space<vmem>>, vector<16xi32>,
      tpu.vector_store %arg11[%swap3A_262], %get3A_261 {strides = array<i32>} : memref<128xi32, #tpu.memory_space<vmem>>, vector<16xi32>,
      %mul3A_264 = arith.constant 128 : i32
      %mul3A_265 = arith.muli %while3A_255, %mul3A_264 : i32
      %add3A_266 = arith.constant 0 : i32
      %add3A_267 = arith.addi %mul3A_265, %add3A_266 : i32
      %get3A_268 = arith.index_cast %add3A_267 : i32 to index
      %get3A_269 = tpu.vector_load %arg8[%get3A_268] {strides = array<i32>} : memref<27008xi32, #tpu.memory_space<vmem>>, vector<16xi32>,
      %swap3A_270 = arith.constant 0 : index
      %swap3A_271 = tpu.vector_load %arg12[%swap3A_270] {strides = array<i32>} : memref<128xi32, #tpu.memory_space<vmem>>, vector<16xi32>,
      tpu.vector_store %arg12[%swap3A_270], %get3A_269 {strides = array<i32>} : memref<128xi32, #tpu.memory_space<vmem>>, vector<16xi32>,
      %mul3A_272 = arith.constant 128 : i32
      %mul3A_273 = arith.muli %while3A_255, %mul3A_272 : i32
      %add3A_274 = arith.constant 16 : i32
      %add3A_275 = arith.addi %mul3A_273, %add3A_274 : i32
      %get3A_276 = arith.index_cast %add3A_275 : i32 to index
      %get3A_277 = tpu.vector_load %arg7[%get3A_276] {strides = array<i32>} : memref<27008xi32, #tpu.memory_space<vmem>>, vector<16xi32>,
      %swap3A_278 = arith.constant 16 : index
      %swap3A_279 = tpu.vector_load %arg11[%swap3A_278] {strides = array<i32>} : memref<128xi32, #tpu.memory_space<vmem>>, vector<16xi32>,
      tpu.vector_store %arg11[%swap3A_278], %get3A_277 {strides = array<i32>} : memref<128xi32, #tpu.memory_space<vmem>>, vector<16xi32>,
      %mul3A_280 = arith.constant 128 : i32
      %mul3A_281 = arith.muli %while3A_255, %mul3A_280 : i32
      %add3A_282 = arith.constant 16 : i32
      %add3A_283 = arith.addi %mul3A_281, %add3A_282 : i32
      %get3A_284 = arith.index_cast %add3A_283 : i32 to index
      %get3A_285 = tpu.vector_load %arg8[%get3A_284] {strides = array<i32>} : memref<27008xi32, #tpu.memory_space<vmem>>, vector<16xi32>,
      %swap3A_286 = arith.constant 16 : index
      %swap3A_287 = tpu.vector_load %arg12[%swap3A_286] {strides = array<i32>} : memref<128xi32, #tpu.memory_space<vmem>>, vector<16xi32>,
      tpu.vector_store %arg12[%swap3A_286], %get3A_285 {strides = array<i32>} : memref<128xi32, #tpu.memory_space<vmem>>, vector<16xi32>,
      %mul3A_288 = arith.constant 128 : i32
      %mul3A_289 = arith.muli %while3A_255, %mul3A_288 : i32
      %add3A_290 = arith.constant 32 : i32
      %add3A_291 = arith.addi %mul3A_289, %add3A_290 : i32
      %get3A_292 = arith.index_cast %add3A_291 : i32 to index
      %get3A_293 = tpu.vector_load %arg7[%get3A_292] {strides = array<i32>} : memref<27008xi32, #tpu.memory_space<vmem>>, vector<16xi32>,
      %swap3A_294 = arith.constant 32 : index
      %swap3A_295 = tpu.vector_load %arg11[%swap3A_294] {strides = array<i32>} : memref<128xi32, #tpu.memory_space<vmem>>, vector<16xi32>,
      tpu.vector_store %arg11[%swap3A_294], %get3A_293 {strides = array<i32>} : memref<128xi32, #tpu.memory_space<vmem>>, vector<16xi32>,
      %mul3A_296 = arith.constant 128 : i32
      %mul3A_297 = arith.muli %while3A_255, %mul3A_296 : i32
      %add3A_298 = arith.constant 32 : i32
      %add3A_299 = arith.addi %mul3A_297, %add3A_298 : i32
      %get3A_300 = arith.index_cast %add3A_299 : i32 to index
      %get3A_301 = tpu.vector_load %arg8[%get3A_300] {strides = array<i32>} : memref<27008xi32, #tpu.memory_space<vmem>>, vector<16xi32>,
      %swap3A_302 = arith.constant 32 : index
      %swap3A_303 = tpu.vector_load %arg12[%swap3A_302] {strides = array<i32>} : memref<128xi32, #tpu.memory_space<vmem>>, vector<16xi32>,
      tpu.vector_store %arg12[%swap3A_302], %get3A_301 {strides = array<i32>} : memref<128xi32, #tpu.memory_space<vmem>>, vector<16xi32>,
      %mul3A_304 = arith.constant 128 : i32
      %mul3A_305 = arith.muli %while3A_255, %mul3A_304 : i32
      %add3A_306 = arith.constant 48 : i32
      %add3A_307 = arith.addi %mul3A_305, %add3A_306 : i32
      %get3A_308 = arith.index_cast %add3A_307 : i32 to index
      %get3A_309 = tpu.vector_load %arg7[%get3A_308] {strides = array<i32>} : memref<27008xi32, #tpu.memory_space<vmem>>, vector<16xi32>,
      %swap3A_310 = arith.constant 48 : index
      %swap3A_311 = tpu.vector_load %arg11[%swap3A_310] {strides = array<i32>} : memref<128xi32, #tpu.memory_space<vmem>>, vector<16xi32>,
      tpu.vector_store %arg11[%swap3A_310], %get3A_309 {strides = array<i32>} : memref<128xi32, #tpu.memory_space<vmem>>, vector<16xi32>,
      %mul3A_312 = arith.constant 128 : i32
      %mul3A_313 = arith.muli %while3A_255, %mul3A_312 : i32
      %add3A_314 = arith.constant 48 : i32
      %add3A_315 = arith.addi %mul3A_313, %add3A_314 : i32
      %get3A_316 = arith.index_cast %add3A_315 : i32 to index
      %get3A_317 = tpu.vector_load %arg8[%get3A_316] {strides = array<i32>} : memref<27008xi32, #tpu.memory_space<vmem>>, vector<16xi32>,
      %swap3A_318 = arith.constant 48 : index
      %swap3A_319 = tpu.vector_load %arg12[%swap3A_318] {strides = array<i32>} : memref<128xi32, #tpu.memory_space<vmem>>, vector<16xi32>,
      tpu.vector_store %arg12[%swap3A_318], %get3A_317 {strides = array<i32>} : memref<128xi32, #tpu.memory_space<vmem>>, vector<16xi32>,
      %mul3A_320 = arith.constant 128 : i32
      %mul3A_321 = arith.muli %while3A_255, %mul3A_320 : i32
      %add3A_322 = arith.constant 64 : i32
      %add3A_323 = arith.addi %mul3A_321, %add3A_322 : i32
      %get3A_324 = arith.index_cast %add3A_323 : i32 to index
      %get3A_325 = tpu.vector_load %arg7[%get3A_324] {strides = array<i32>} : memref<27008xi32, #tpu.memory_space<vmem>>, vector<16xi32>,
      %swap3A_326 = arith.constant 64 : index
      %swap3A_327 = tpu.vector_load %arg11[%swap3A_326] {strides = array<i32>} : memref<128xi32, #tpu.memory_space<vmem>>, vector<16xi32>,
      tpu.vector_store %arg11[%swap3A_326], %get3A_325 {strides = array<i32>} : memref<128xi32, #tpu.memory_space<vmem>>, vector<16xi32>,
      %mul3A_328 = arith.constant 128 : i32
      %mul3A_329 = arith.muli %while3A_255, %mul3A_328 : i32
      %add3A_330 = arith.constant 64 : i32
      %add3A_331 = arith.addi %mul3A_329, %add3A_330 : i32
      %get3A_332 = arith.index_cast %add3A_331 : i32 to index
      %get3A_333 = tpu.vector_load %arg8[%get3A_332] {strides = array<i32>} : memref<27008xi32, #tpu.memory_space<vmem>>, vector<16xi32>,
      %swap3A_334 = arith.constant 64 : index
      %swap3A_335 = tpu.vector_load %arg12[%swap3A_334] {strides = array<i32>} : memref<128xi32, #tpu.memory_space<vmem>>, vector<16xi32>,
      tpu.vector_store %arg12[%swap3A_334], %get3A_333 {strides = array<i32>} : memref<128xi32, #tpu.memory_space<vmem>>, vector<16xi32>,
      %mul3A_336 = arith.constant 128 : i32
      %mul3A_337 = arith.muli %while3A_255, %mul3A_336 : i32
      %add3A_338 = arith.constant 80 : i32
      %add3A_339 = arith.addi %mul3A_337, %add3A_338 : i32
      %get3A_340 = arith.index_cast %add3A_339 : i32 to index
      %get3A_341 = tpu.vector_load %arg7[%get3A_340] {strides = array<i32>} : memref<27008xi32, #tpu.memory_space<vmem>>, vector<16xi32>,
      %swap3A_342 = arith.constant 80 : index
      %swap3A_343 = tpu.vector_load %arg11[%swap3A_342] {strides = array<i32>} : memref<128xi32, #tpu.memory_space<vmem>>, vector<16xi32>,
      tpu.vector_store %arg11[%swap3A_342], %get3A_341 {strides = array<i32>} : memref<128xi32, #tpu.memory_space<vmem>>, vector<16xi32>,
      %mul3A_344 = arith.constant 128 : i32
      %mul3A_345 = arith.muli %while3A_255, %mul3A_344 : i32
      %add3A_346 = arith.constant 80 : i32
      %add3A_347 = arith.addi %mul3A_345, %add3A_346 : i32
      %get3A_348 = arith.index_cast %add3A_347 : i32 to index
      %get3A_349 = tpu.vector_load %arg8[%get3A_348] {strides = array<i32>} : memref<27008xi32, #tpu.memory_space<vmem>>, vector<16xi32>,
      %swap3A_350 = arith.constant 80 : index
      %swap3A_351 = tpu.vector_load %arg12[%swap3A_350] {strides = array<i32>} : memref<128xi32, #tpu.memory_space<vmem>>, vector<16xi32>,
      tpu.vector_store %arg12[%swap3A_350], %get3A_349 {strides = array<i32>} : memref<128xi32, #tpu.memory_space<vmem>>, vector<16xi32>,
      %mul3A_352 = arith.constant 128 : i32
      %mul3A_353 = arith.muli %while3A_255, %mul3A_352 : i32
      %add3A_354 = arith.constant 96 : i32
      %add3A_355 = arith.addi %mul3A_353, %add3A_354 : i32
      %get3A_356 = arith.index_cast %add3A_355 : i32 to index
      %get3A_357 = tpu.vector_load %arg7[%get3A_356] {strides = array<i32>} : memref<27008xi32, #tpu.memory_space<vmem>>, vector<16xi32>,
      %swap3A_358 = arith.constant 96 : index
      %swap3A_359 = tpu.vector_load %arg11[%swap3A_358] {strides = array<i32>} : memref<128xi32, #tpu.memory_space<vmem>>, vector<16xi32>,
      tpu.vector_store %arg11[%swap3A_358], %get3A_357 {strides = array<i32>} : memref<128xi32, #tpu.memory_space<vmem>>, vector<16xi32>,
      %mul3A_360 = arith.constant 128 : i32
      %mul3A_361 = arith.muli %while3A_255, %mul3A_360 : i32
      %add3A_362 = arith.constant 96 : i32
      %add3A_363 = arith.addi %mul3A_361, %add3A_362 : i32
      %get3A_364 = arith.index_cast %add3A_363 : i32 to index
      %get3A_365 = tpu.vector_load %arg8[%get3A_364] {strides = array<i32>} : memref<27008xi32, #tpu.memory_space<vmem>>, vector<16xi32>,
      %swap3A_366 = arith.constant 96 : index
      %swap3A_367 = tpu.vector_load %arg12[%swap3A_366] {strides = array<i32>} : memref<128xi32, #tpu.memory_space<vmem>>, vector<16xi32>,
      tpu.vector_store %arg12[%swap3A_366], %get3A_365 {strides = array<i32>} : memref<128xi32, #tpu.memory_space<vmem>>, vector<16xi32>,
      %mul3A_368 = arith.constant 128 : i32
      %mul3A_369 = arith.muli %while3A_255, %mul3A_368 : i32
      %add3A_370 = arith.constant 112 : i32
      %add3A_371 = arith.addi %mul3A_369, %add3A_370 : i32
      %get3A_372 = arith.index_cast %add3A_371 : i32 to index
      %get3A_373 = tpu.vector_load %arg7[%get3A_372] {strides = array<i32>} : memref<27008xi32, #tpu.memory_space<vmem>>, vector<16xi32>,
      %swap3A_374 = arith.constant 112 : index
      %swap3A_375 = tpu.vector_load %arg11[%swap3A_374] {strides = array<i32>} : memref<128xi32, #tpu.memory_space<vmem>>, vector<16xi32>,
      tpu.vector_store %arg11[%swap3A_374], %get3A_373 {strides = array<i32>} : memref<128xi32, #tpu.memory_space<vmem>>, vector<16xi32>,
      %mul3A_376 = arith.constant 128 : i32
      %mul3A_377 = arith.muli %while3A_255, %mul3A_376 : i32
      %add3A_378 = arith.constant 112 : i32
      %add3A_379 = arith.addi %mul3A_377, %add3A_378 : i32
      %get3A_380 = arith.index_cast %add3A_379 : i32 to index
      %get3A_381 = tpu.vector_load %arg8[%get3A_380] {strides = array<i32>} : memref<27008xi32, #tpu.memory_space<vmem>>, vector<16xi32>,
      %swap3A_382 = arith.constant 112 : index
      %swap3A_383 = tpu.vector_load %arg12[%swap3A_382] {strides = array<i32>} : memref<128xi32, #tpu.memory_space<vmem>>, vector<16xi32>,
      tpu.vector_store %arg12[%swap3A_382], %get3A_381 {strides = array<i32>} : memref<128xi32, #tpu.memory_space<vmem>>, vector<16xi32>,
      %dma_start3A_384 = arith.constant 0 : i32
      %dma_start3A_385 = arith.constant 0 : i32
      %dma_start3A_386 = tpu.memref_slice %arg3[%dma_start3A_384, %dma_start3A_385] : memref<40000x128xf32, #tpu.memory_space<hbm>> -> memref<40000x128xf32, #tpu.memory_space<hbm>>
      tpu.enqueue_indirect_dma source(%dma_start3A_386 : memref<40000x128xf32, #tpu.memory_space<hbm>>) target(%arg13 : memref<128x128xf32, #tpu.memory_space<vmem>>) offsets(%arg12 : memref<128xi32, #tpu.memory_space<vmem>>) semaphore(%arg14 : memref<!tpu.dma_semaphore, #tpu.memory_space<semaphore_mem>>)
      %dma_wait3A_387 = arith.constant 0 : i32
      %dma_wait3A_388 = arith.constant 0 : i32
      %dma_wait3A_389 = tpu.memref_slice %arg3[%dma_wait3A_387, %dma_wait3A_388] : memref<40000x128xf32, #tpu.memory_space<hbm>> -> memref<40000x128xf32, #tpu.memory_space<hbm>>
      tpu.wait_indirect_dma semaphore(%arg14 : memref<!tpu.dma_semaphore, #tpu.memory_space<semaphore_mem>>) src(%dma_wait3A_389 : memref<40000x128xf32, #tpu.memory_space<hbm>>) dst(%arg13 : memref<128x128xf32, #tpu.memory_space<vmem>>)
      %dma_start3A_390 = arith.constant 0 : i32
      %dma_start3A_391 = arith.constant 0 : i32
      %dma_start3A_392 = tpu.memref_slice %arg4[%dma_start3A_390, %dma_start3A_391] : memref<864000x128xf32, #tpu.memory_space<hbm>> -> memref<864000x128xf32, #tpu.memory_space<hbm>>
      tpu.enqueue_indirect_dma source(%arg13 : memref<128x128xf32, #tpu.memory_space<vmem>>) target(%dma_start3A_392 : memref<864000x128xf32, #tpu.memory_space<hbm>>) offsets(%arg11 : memref<128xi32, #tpu.memory_space<vmem>>) semaphore(%arg15 : memref<!tpu.dma_semaphore, #tpu.memory_space<semaphore_mem>>)
      %dma_wait3A_393 = arith.constant 0 : i32
      %dma_wait3A_394 = arith.constant 0 : i32
      %dma_wait3A_395 = tpu.memref_slice %arg4[%dma_wait3A_393, %dma_wait3A_394] : memref<864000x128xf32, #tpu.memory_space<hbm>> -> memref<864000x128xf32, #tpu.memory_space<hbm>>
      tpu.wait_indirect_dma semaphore(%arg15 : memref<!tpu.dma_semaphore, #tpu.memory_space<semaphore_mem>>) src(%arg13 : memref<128x128xf32, #tpu.memory_space<vmem>>) dst(%dma_wait3A_395 : memref<864000x128xf32, #tpu.memory_space<hbm>>)
      %while3A_396 = arith.constant 0 : i32
      scf.yield %while3A_396 : i32
    }
    "tpu.region"() ({
      %run_scoped3A = tpu.sem_alloc : memref<!tpu.dma_semaphore, #tpu.memory_space<semaphore_mem>>
      %dma_start3A_255 = tpu.memref_slice %arg5[%mul3A_2] : memref<857088xi32, #tpu.memory_space<hbm>> -> memref<26784xi32, #tpu.memory_space<hbm>>
      %dma_start3A_256 = tpu.memref_slice %arg5[%mul3A_2] : memref<857088xi32, #tpu.memory_space<hbm>> -> memref<26784xi32, #tpu.memory_space<hbm>>
      tpu.enqueue_dma source(%arg6 : memref<26784xi32, #tpu.memory_space<vmem>>) target(%dma_start3A_256 : memref<26784xi32, #tpu.memory_space<hbm>>) target_semaphore(%run_scoped3A : memref<!tpu.dma_semaphore, #tpu.memory_space<semaphore_mem>>)
      %dma_wait3A_257 = tpu.memref_slice %arg5[%mul3A_2] : memref<857088xi32, #tpu.memory_space<hbm>> -> memref<26784xi32, #tpu.memory_space<hbm>>
      %dma_wait3A_258 = tpu.memref_slice %arg5[%mul3A_2] : memref<857088xi32, #tpu.memory_space<hbm>> -> memref<26784xi32, #tpu.memory_space<hbm>>
      tpu.wait_dma2 semaphore(%run_scoped3A : memref<!tpu.dma_semaphore, #tpu.memory_space<semaphore_mem>>) src(%arg6 : memref<26784xi32, #tpu.memory_space<vmem>>) dst(%dma_wait3A_258 : memref<26784xi32, #tpu.memory_space<hbm>>)
      tpu.yield
    }) : () -> ()
    return
  }
}

module attributes {stable_mosaic.version = 14 : i64} {
  func.func @body(%arg0: i32, %arg1: i32, %arg2: memref<6912x128xf32, #tpu.memory_space<vmem>>, %arg3: memref<4x6912xi32, #tpu.memory_space<vmem>>, %arg4: memref<1x64x16x432xf32, #tpu.memory_space<vmem>>, %arg5: memref<1x3x16x432xf32, #tpu.memory_space<vmem>>) attributes {dimension_semantics = [#tpu.dimension_semantics<arbitrary>, #tpu.dimension_semantics<arbitrary>], iteration_bounds = array<i64: 4, 31>, scalar_prefetch = 0 : i64, scratch_operands = 0 : i64, tpu.core_type = #tpu.core_type<tc>, window_params = [{transform_indices = @transform_0, window_bounds = array<i64: 6912, 128>}, {transform_indices = @transform_1, window_bounds = array<i64: 4, 6912>}, {transform_indices = @transform_2, window_bounds = array<i64: 1, 64, 16, 432>}, {transform_indices = @transform_3, window_bounds = array<i64: 1, 3, 16, 432>}]} {
    %iota3A = tpu.iota {dimensions = array<i32: 0>} : vector<4x1xi32>
    %eq3A = vector.broadcast %arg0 : i32 to vector<4x1xi32>
    %eq3A_0 = arith.cmpi eq, %iota3A, %eq3A : vector<4x1xi32>
    %get3A = arith.constant 0 : index
    %get3A_1 = arith.constant 0 : index
    %get3A_2 = vector.load %arg3[%get3A, %get3A_1] : memref<4x6912xi32, #tpu.memory_space<vmem>>, vector<4x6912xi32>
    %jit3A = arith.constant 0 : i32
    %broadcast_in_dim3A = vector.shape_cast %eq3A_0 : vector<4x1xi1> to vector<4x1xi1>
    %broadcast_in_dim3A_3 = vector.broadcast %broadcast_in_dim3A : vector<4x1xi1> to vector<4x6912xi1>
    %broadcast_in_dim3A_4 = vector.broadcast %jit3A : i32 to vector<4x6912xi32>
    %select_n3A = arith.select %broadcast_in_dim3A_3, %get3A_2, %broadcast_in_dim3A_4 : vector<4x6912xi1>, vector<4x6912xi32>
    %reduce_sum3A = arith.constant dense<0> : vector<6912xi32>
    %reduce_sum3A_5 = vector.multi_reduction <add>, %select_n3A, %reduce_sum3A [0] : vector<4x6912xi32> to vector<6912xi32>
    %get3A_6 = arith.constant 0 : index
    %get3A_7 = arith.constant 0 : index
    %get3A_8 = vector.load %arg2[%get3A_6, %get3A_7] : memref<6912x128xf32, #tpu.memory_space<vmem>>, vector<6912x128xf32>
    %gt3A = arith.constant 0 : i32
    %gt3A_9 = vector.broadcast %gt3A : i32 to vector<6912xi32>
    %gt3A_10 = arith.cmpi sgt, %reduce_sum3A_5, %gt3A_9 : vector<6912xi32>
    %broadcast_in_dim3A_11 = vector.shape_cast %gt3A_10 : vector<6912xi1> to vector<1x6912xi1>
    %transpose3A = tpu.transpose %get3A_8, [1, 0] : vector<6912x128xf32> -> vector<128x6912xf32>
    %slice3A = vector.extract_strided_slice %transpose3A {offsets = [0, 0], sizes = [64, 6912], strides = [1, 1]} : vector<128x6912xf32> to vector<64x6912xf32>
    %jit3A_12 = arith.constant 0.000000e+00 : f32
    %broadcast_in_dim3A_13 = vector.shape_cast %broadcast_in_dim3A_11 : vector<1x6912xi1> to vector<1x6912xi1>
    %broadcast_in_dim3A_14 = vector.broadcast %broadcast_in_dim3A_13 : vector<1x6912xi1> to vector<64x6912xi1>
    %broadcast_in_dim3A_15 = vector.broadcast %jit3A_12 : f32 to vector<64x6912xf32>
    %select_n3A_16 = arith.select %broadcast_in_dim3A_14, %slice3A, %broadcast_in_dim3A_15 : vector<64x6912xi1>, vector<64x6912xf32>
    %slice3A_17 = vector.extract_strided_slice %transpose3A {offsets = [64, 0], sizes = [3, 6912], strides = [1, 1]} : vector<128x6912xf32> to vector<3x6912xf32>
    %jit3A_18 = arith.constant 0.000000e+00 : f32
    %broadcast_in_dim3A_19 = vector.shape_cast %broadcast_in_dim3A_11 : vector<1x6912xi1> to vector<1x6912xi1>
    %broadcast_in_dim3A_20 = vector.broadcast %broadcast_in_dim3A_19 : vector<1x6912xi1> to vector<3x6912xi1>
    %broadcast_in_dim3A_21 = vector.broadcast %jit3A_18 : f32 to vector<3x6912xf32>
    %select_n3A_22 = arith.select %broadcast_in_dim3A_20, %slice3A_17, %broadcast_in_dim3A_21 : vector<3x6912xi1>, vector<3x6912xf32>
    %slice3A_23 = vector.extract_strided_slice %select_n3A_16 {offsets = [0, 0], sizes = [64, 432], strides = [1, 1]} : vector<64x6912xf32> to vector<64x432xf32>
    %swap3A = arith.constant 0 : index
    %swap3A_24 = arith.constant 0 : index
    %swap3A_25 = arith.constant 0 : index
    %swap3A_26 = arith.constant 0 : index
    %swap3A_27 = vector.load %arg4[%swap3A, %swap3A_24, %swap3A_25, %swap3A_26] : memref<1x64x16x432xf32, #tpu.memory_space<vmem>>, vector<1x64x1x432xf32>
    %swap3A_28 = vector.shape_cast %swap3A_27 : vector<1x64x1x432xf32> to vector<64x432xf32>
    %swap3A_29 = vector.shape_cast %slice3A_23 : vector<64x432xf32> to vector<1x64x1x432xf32>
    tpu.vector_store %arg4[%swap3A, %swap3A_24, %swap3A_25, %swap3A_26], %swap3A_29 {strides = array<i32>} : memref<1x64x16x432xf32, #tpu.memory_space<vmem>>, vector<1x64x1x432xf32>,
    %slice3A_30 = vector.extract_strided_slice %select_n3A_22 {offsets = [0, 0], sizes = [3, 432], strides = [1, 1]} : vector<3x6912xf32> to vector<3x432xf32>
    %swap3A_31 = arith.constant 0 : index
    %swap3A_32 = arith.constant 0 : index
    %swap3A_33 = arith.constant 0 : index
    %swap3A_34 = arith.constant 0 : index
    %swap3A_35 = vector.load %arg5[%swap3A_31, %swap3A_32, %swap3A_33, %swap3A_34] : memref<1x3x16x432xf32, #tpu.memory_space<vmem>>, vector<1x3x1x432xf32>
    %swap3A_36 = vector.shape_cast %swap3A_35 : vector<1x3x1x432xf32> to vector<3x432xf32>
    %swap3A_37 = vector.shape_cast %slice3A_30 : vector<3x432xf32> to vector<1x3x1x432xf32>
    tpu.vector_store %arg5[%swap3A_31, %swap3A_32, %swap3A_33, %swap3A_34], %swap3A_37 {strides = array<i32>} : memref<1x3x16x432xf32, #tpu.memory_space<vmem>>, vector<1x3x1x432xf32>,
    %slice3A_38 = vector.extract_strided_slice %select_n3A_16 {offsets = [0, 432], sizes = [64, 432], strides = [1, 1]} : vector<64x6912xf32> to vector<64x432xf32>
    %swap3A_39 = arith.constant 0 : index
    %swap3A_40 = arith.constant 0 : index
    %swap3A_41 = arith.constant 1 : index
    %swap3A_42 = arith.constant 0 : index
    %swap3A_43 = vector.load %arg4[%swap3A_39, %swap3A_40, %swap3A_41, %swap3A_42] : memref<1x64x16x432xf32, #tpu.memory_space<vmem>>, vector<1x64x1x432xf32>
    %swap3A_44 = vector.shape_cast %swap3A_43 : vector<1x64x1x432xf32> to vector<64x432xf32>
    %swap3A_45 = vector.shape_cast %slice3A_38 : vector<64x432xf32> to vector<1x64x1x432xf32>
    tpu.vector_store %arg4[%swap3A_39, %swap3A_40, %swap3A_41, %swap3A_42], %swap3A_45 {strides = array<i32>} : memref<1x64x16x432xf32, #tpu.memory_space<vmem>>, vector<1x64x1x432xf32>,
    %slice3A_46 = vector.extract_strided_slice %select_n3A_22 {offsets = [0, 432], sizes = [3, 432], strides = [1, 1]} : vector<3x6912xf32> to vector<3x432xf32>
    %swap3A_47 = arith.constant 0 : index
    %swap3A_48 = arith.constant 0 : index
    %swap3A_49 = arith.constant 1 : index
    %swap3A_50 = arith.constant 0 : index
    %swap3A_51 = vector.load %arg5[%swap3A_47, %swap3A_48, %swap3A_49, %swap3A_50] : memref<1x3x16x432xf32, #tpu.memory_space<vmem>>, vector<1x3x1x432xf32>
    %swap3A_52 = vector.shape_cast %swap3A_51 : vector<1x3x1x432xf32> to vector<3x432xf32>
    %swap3A_53 = vector.shape_cast %slice3A_46 : vector<3x432xf32> to vector<1x3x1x432xf32>
    tpu.vector_store %arg5[%swap3A_47, %swap3A_48, %swap3A_49, %swap3A_50], %swap3A_53 {strides = array<i32>} : memref<1x3x16x432xf32, #tpu.memory_space<vmem>>, vector<1x3x1x432xf32>,
    %slice3A_54 = vector.extract_strided_slice %select_n3A_16 {offsets = [0, 864], sizes = [64, 432], strides = [1, 1]} : vector<64x6912xf32> to vector<64x432xf32>
    %swap3A_55 = arith.constant 0 : index
    %swap3A_56 = arith.constant 0 : index
    %swap3A_57 = arith.constant 2 : index
    %swap3A_58 = arith.constant 0 : index
    %swap3A_59 = vector.load %arg4[%swap3A_55, %swap3A_56, %swap3A_57, %swap3A_58] : memref<1x64x16x432xf32, #tpu.memory_space<vmem>>, vector<1x64x1x432xf32>
    %swap3A_60 = vector.shape_cast %swap3A_59 : vector<1x64x1x432xf32> to vector<64x432xf32>
    %swap3A_61 = vector.shape_cast %slice3A_54 : vector<64x432xf32> to vector<1x64x1x432xf32>
    tpu.vector_store %arg4[%swap3A_55, %swap3A_56, %swap3A_57, %swap3A_58], %swap3A_61 {strides = array<i32>} : memref<1x64x16x432xf32, #tpu.memory_space<vmem>>, vector<1x64x1x432xf32>,
    %slice3A_62 = vector.extract_strided_slice %select_n3A_22 {offsets = [0, 864], sizes = [3, 432], strides = [1, 1]} : vector<3x6912xf32> to vector<3x432xf32>
    %swap3A_63 = arith.constant 0 : index
    %swap3A_64 = arith.constant 0 : index
    %swap3A_65 = arith.constant 2 : index
    %swap3A_66 = arith.constant 0 : index
    %swap3A_67 = vector.load %arg5[%swap3A_63, %swap3A_64, %swap3A_65, %swap3A_66] : memref<1x3x16x432xf32, #tpu.memory_space<vmem>>, vector<1x3x1x432xf32>
    %swap3A_68 = vector.shape_cast %swap3A_67 : vector<1x3x1x432xf32> to vector<3x432xf32>
    %swap3A_69 = vector.shape_cast %slice3A_62 : vector<3x432xf32> to vector<1x3x1x432xf32>
    tpu.vector_store %arg5[%swap3A_63, %swap3A_64, %swap3A_65, %swap3A_66], %swap3A_69 {strides = array<i32>} : memref<1x3x16x432xf32, #tpu.memory_space<vmem>>, vector<1x3x1x432xf32>,
    %slice3A_70 = vector.extract_strided_slice %select_n3A_16 {offsets = [0, 1296], sizes = [64, 432], strides = [1, 1]} : vector<64x6912xf32> to vector<64x432xf32>
    %swap3A_71 = arith.constant 0 : index
    %swap3A_72 = arith.constant 0 : index
    %swap3A_73 = arith.constant 3 : index
    %swap3A_74 = arith.constant 0 : index
    %swap3A_75 = vector.load %arg4[%swap3A_71, %swap3A_72, %swap3A_73, %swap3A_74] : memref<1x64x16x432xf32, #tpu.memory_space<vmem>>, vector<1x64x1x432xf32>
    %swap3A_76 = vector.shape_cast %swap3A_75 : vector<1x64x1x432xf32> to vector<64x432xf32>
    %swap3A_77 = vector.shape_cast %slice3A_70 : vector<64x432xf32> to vector<1x64x1x432xf32>
    tpu.vector_store %arg4[%swap3A_71, %swap3A_72, %swap3A_73, %swap3A_74], %swap3A_77 {strides = array<i32>} : memref<1x64x16x432xf32, #tpu.memory_space<vmem>>, vector<1x64x1x432xf32>,
    %slice3A_78 = vector.extract_strided_slice %select_n3A_22 {offsets = [0, 1296], sizes = [3, 432], strides = [1, 1]} : vector<3x6912xf32> to vector<3x432xf32>
    %swap3A_79 = arith.constant 0 : index
    %swap3A_80 = arith.constant 0 : index
    %swap3A_81 = arith.constant 3 : index
    %swap3A_82 = arith.constant 0 : index
    %swap3A_83 = vector.load %arg5[%swap3A_79, %swap3A_80, %swap3A_81, %swap3A_82] : memref<1x3x16x432xf32, #tpu.memory_space<vmem>>, vector<1x3x1x432xf32>
    %swap3A_84 = vector.shape_cast %swap3A_83 : vector<1x3x1x432xf32> to vector<3x432xf32>
    %swap3A_85 = vector.shape_cast %slice3A_78 : vector<3x432xf32> to vector<1x3x1x432xf32>
    tpu.vector_store %arg5[%swap3A_79, %swap3A_80, %swap3A_81, %swap3A_82], %swap3A_85 {strides = array<i32>} : memref<1x3x16x432xf32, #tpu.memory_space<vmem>>, vector<1x3x1x432xf32>,
    %slice3A_86 = vector.extract_strided_slice %select_n3A_16 {offsets = [0, 1728], sizes = [64, 432], strides = [1, 1]} : vector<64x6912xf32> to vector<64x432xf32>
    %swap3A_87 = arith.constant 0 : index
    %swap3A_88 = arith.constant 0 : index
    %swap3A_89 = arith.constant 4 : index
    %swap3A_90 = arith.constant 0 : index
    %swap3A_91 = vector.load %arg4[%swap3A_87, %swap3A_88, %swap3A_89, %swap3A_90] : memref<1x64x16x432xf32, #tpu.memory_space<vmem>>, vector<1x64x1x432xf32>
    %swap3A_92 = vector.shape_cast %swap3A_91 : vector<1x64x1x432xf32> to vector<64x432xf32>
    %swap3A_93 = vector.shape_cast %slice3A_86 : vector<64x432xf32> to vector<1x64x1x432xf32>
    tpu.vector_store %arg4[%swap3A_87, %swap3A_88, %swap3A_89, %swap3A_90], %swap3A_93 {strides = array<i32>} : memref<1x64x16x432xf32, #tpu.memory_space<vmem>>, vector<1x64x1x432xf32>,
    %slice3A_94 = vector.extract_strided_slice %select_n3A_22 {offsets = [0, 1728], sizes = [3, 432], strides = [1, 1]} : vector<3x6912xf32> to vector<3x432xf32>
    %swap3A_95 = arith.constant 0 : index
    %swap3A_96 = arith.constant 0 : index
    %swap3A_97 = arith.constant 4 : index
    %swap3A_98 = arith.constant 0 : index
    %swap3A_99 = vector.load %arg5[%swap3A_95, %swap3A_96, %swap3A_97, %swap3A_98] : memref<1x3x16x432xf32, #tpu.memory_space<vmem>>, vector<1x3x1x432xf32>
    %swap3A_100 = vector.shape_cast %swap3A_99 : vector<1x3x1x432xf32> to vector<3x432xf32>
    %swap3A_101 = vector.shape_cast %slice3A_94 : vector<3x432xf32> to vector<1x3x1x432xf32>
    tpu.vector_store %arg5[%swap3A_95, %swap3A_96, %swap3A_97, %swap3A_98], %swap3A_101 {strides = array<i32>} : memref<1x3x16x432xf32, #tpu.memory_space<vmem>>, vector<1x3x1x432xf32>,
    %slice3A_102 = vector.extract_strided_slice %select_n3A_16 {offsets = [0, 2160], sizes = [64, 432], strides = [1, 1]} : vector<64x6912xf32> to vector<64x432xf32>
    %swap3A_103 = arith.constant 0 : index
    %swap3A_104 = arith.constant 0 : index
    %swap3A_105 = arith.constant 5 : index
    %swap3A_106 = arith.constant 0 : index
    %swap3A_107 = vector.load %arg4[%swap3A_103, %swap3A_104, %swap3A_105, %swap3A_106] : memref<1x64x16x432xf32, #tpu.memory_space<vmem>>, vector<1x64x1x432xf32>
    %swap3A_108 = vector.shape_cast %swap3A_107 : vector<1x64x1x432xf32> to vector<64x432xf32>
    %swap3A_109 = vector.shape_cast %slice3A_102 : vector<64x432xf32> to vector<1x64x1x432xf32>
    tpu.vector_store %arg4[%swap3A_103, %swap3A_104, %swap3A_105, %swap3A_106], %swap3A_109 {strides = array<i32>} : memref<1x64x16x432xf32, #tpu.memory_space<vmem>>, vector<1x64x1x432xf32>,
    %slice3A_110 = vector.extract_strided_slice %select_n3A_22 {offsets = [0, 2160], sizes = [3, 432], strides = [1, 1]} : vector<3x6912xf32> to vector<3x432xf32>
    %swap3A_111 = arith.constant 0 : index
    %swap3A_112 = arith.constant 0 : index
    %swap3A_113 = arith.constant 5 : index
    %swap3A_114 = arith.constant 0 : index
    %swap3A_115 = vector.load %arg5[%swap3A_111, %swap3A_112, %swap3A_113, %swap3A_114] : memref<1x3x16x432xf32, #tpu.memory_space<vmem>>, vector<1x3x1x432xf32>
    %swap3A_116 = vector.shape_cast %swap3A_115 : vector<1x3x1x432xf32> to vector<3x432xf32>
    %swap3A_117 = vector.shape_cast %slice3A_110 : vector<3x432xf32> to vector<1x3x1x432xf32>
    tpu.vector_store %arg5[%swap3A_111, %swap3A_112, %swap3A_113, %swap3A_114], %swap3A_117 {strides = array<i32>} : memref<1x3x16x432xf32, #tpu.memory_space<vmem>>, vector<1x3x1x432xf32>,
    %slice3A_118 = vector.extract_strided_slice %select_n3A_16 {offsets = [0, 2592], sizes = [64, 432], strides = [1, 1]} : vector<64x6912xf32> to vector<64x432xf32>
    %swap3A_119 = arith.constant 0 : index
    %swap3A_120 = arith.constant 0 : index
    %swap3A_121 = arith.constant 6 : index
    %swap3A_122 = arith.constant 0 : index
    %swap3A_123 = vector.load %arg4[%swap3A_119, %swap3A_120, %swap3A_121, %swap3A_122] : memref<1x64x16x432xf32, #tpu.memory_space<vmem>>, vector<1x64x1x432xf32>
    %swap3A_124 = vector.shape_cast %swap3A_123 : vector<1x64x1x432xf32> to vector<64x432xf32>
    %swap3A_125 = vector.shape_cast %slice3A_118 : vector<64x432xf32> to vector<1x64x1x432xf32>
    tpu.vector_store %arg4[%swap3A_119, %swap3A_120, %swap3A_121, %swap3A_122], %swap3A_125 {strides = array<i32>} : memref<1x64x16x432xf32, #tpu.memory_space<vmem>>, vector<1x64x1x432xf32>,
    %slice3A_126 = vector.extract_strided_slice %select_n3A_22 {offsets = [0, 2592], sizes = [3, 432], strides = [1, 1]} : vector<3x6912xf32> to vector<3x432xf32>
    %swap3A_127 = arith.constant 0 : index
    %swap3A_128 = arith.constant 0 : index
    %swap3A_129 = arith.constant 6 : index
    %swap3A_130 = arith.constant 0 : index
    %swap3A_131 = vector.load %arg5[%swap3A_127, %swap3A_128, %swap3A_129, %swap3A_130] : memref<1x3x16x432xf32, #tpu.memory_space<vmem>>, vector<1x3x1x432xf32>
    %swap3A_132 = vector.shape_cast %swap3A_131 : vector<1x3x1x432xf32> to vector<3x432xf32>
    %swap3A_133 = vector.shape_cast %slice3A_126 : vector<3x432xf32> to vector<1x3x1x432xf32>
    tpu.vector_store %arg5[%swap3A_127, %swap3A_128, %swap3A_129, %swap3A_130], %swap3A_133 {strides = array<i32>} : memref<1x3x16x432xf32, #tpu.memory_space<vmem>>, vector<1x3x1x432xf32>,
    %slice3A_134 = vector.extract_strided_slice %select_n3A_16 {offsets = [0, 3024], sizes = [64, 432], strides = [1, 1]} : vector<64x6912xf32> to vector<64x432xf32>
    %swap3A_135 = arith.constant 0 : index
    %swap3A_136 = arith.constant 0 : index
    %swap3A_137 = arith.constant 7 : index
    %swap3A_138 = arith.constant 0 : index
    %swap3A_139 = vector.load %arg4[%swap3A_135, %swap3A_136, %swap3A_137, %swap3A_138] : memref<1x64x16x432xf32, #tpu.memory_space<vmem>>, vector<1x64x1x432xf32>
    %swap3A_140 = vector.shape_cast %swap3A_139 : vector<1x64x1x432xf32> to vector<64x432xf32>
    %swap3A_141 = vector.shape_cast %slice3A_134 : vector<64x432xf32> to vector<1x64x1x432xf32>
    tpu.vector_store %arg4[%swap3A_135, %swap3A_136, %swap3A_137, %swap3A_138], %swap3A_141 {strides = array<i32>} : memref<1x64x16x432xf32, #tpu.memory_space<vmem>>, vector<1x64x1x432xf32>,
    %slice3A_142 = vector.extract_strided_slice %select_n3A_22 {offsets = [0, 3024], sizes = [3, 432], strides = [1, 1]} : vector<3x6912xf32> to vector<3x432xf32>
    %swap3A_143 = arith.constant 0 : index
    %swap3A_144 = arith.constant 0 : index
    %swap3A_145 = arith.constant 7 : index
    %swap3A_146 = arith.constant 0 : index
    %swap3A_147 = vector.load %arg5[%swap3A_143, %swap3A_144, %swap3A_145, %swap3A_146] : memref<1x3x16x432xf32, #tpu.memory_space<vmem>>, vector<1x3x1x432xf32>
    %swap3A_148 = vector.shape_cast %swap3A_147 : vector<1x3x1x432xf32> to vector<3x432xf32>
    %swap3A_149 = vector.shape_cast %slice3A_142 : vector<3x432xf32> to vector<1x3x1x432xf32>
    tpu.vector_store %arg5[%swap3A_143, %swap3A_144, %swap3A_145, %swap3A_146], %swap3A_149 {strides = array<i32>} : memref<1x3x16x432xf32, #tpu.memory_space<vmem>>, vector<1x3x1x432xf32>,
    %slice3A_150 = vector.extract_strided_slice %select_n3A_16 {offsets = [0, 3456], sizes = [64, 432], strides = [1, 1]} : vector<64x6912xf32> to vector<64x432xf32>
    %swap3A_151 = arith.constant 0 : index
    %swap3A_152 = arith.constant 0 : index
    %swap3A_153 = arith.constant 8 : index
    %swap3A_154 = arith.constant 0 : index
    %swap3A_155 = vector.load %arg4[%swap3A_151, %swap3A_152, %swap3A_153, %swap3A_154] : memref<1x64x16x432xf32, #tpu.memory_space<vmem>>, vector<1x64x1x432xf32>
    %swap3A_156 = vector.shape_cast %swap3A_155 : vector<1x64x1x432xf32> to vector<64x432xf32>
    %swap3A_157 = vector.shape_cast %slice3A_150 : vector<64x432xf32> to vector<1x64x1x432xf32>
    tpu.vector_store %arg4[%swap3A_151, %swap3A_152, %swap3A_153, %swap3A_154], %swap3A_157 {strides = array<i32>} : memref<1x64x16x432xf32, #tpu.memory_space<vmem>>, vector<1x64x1x432xf32>,
    %slice3A_158 = vector.extract_strided_slice %select_n3A_22 {offsets = [0, 3456], sizes = [3, 432], strides = [1, 1]} : vector<3x6912xf32> to vector<3x432xf32>
    %swap3A_159 = arith.constant 0 : index
    %swap3A_160 = arith.constant 0 : index
    %swap3A_161 = arith.constant 8 : index
    %swap3A_162 = arith.constant 0 : index
    %swap3A_163 = vector.load %arg5[%swap3A_159, %swap3A_160, %swap3A_161, %swap3A_162] : memref<1x3x16x432xf32, #tpu.memory_space<vmem>>, vector<1x3x1x432xf32>
    %swap3A_164 = vector.shape_cast %swap3A_163 : vector<1x3x1x432xf32> to vector<3x432xf32>
    %swap3A_165 = vector.shape_cast %slice3A_158 : vector<3x432xf32> to vector<1x3x1x432xf32>
    tpu.vector_store %arg5[%swap3A_159, %swap3A_160, %swap3A_161, %swap3A_162], %swap3A_165 {strides = array<i32>} : memref<1x3x16x432xf32, #tpu.memory_space<vmem>>, vector<1x3x1x432xf32>,
    %slice3A_166 = vector.extract_strided_slice %select_n3A_16 {offsets = [0, 3888], sizes = [64, 432], strides = [1, 1]} : vector<64x6912xf32> to vector<64x432xf32>
    %swap3A_167 = arith.constant 0 : index
    %swap3A_168 = arith.constant 0 : index
    %swap3A_169 = arith.constant 9 : index
    %swap3A_170 = arith.constant 0 : index
    %swap3A_171 = vector.load %arg4[%swap3A_167, %swap3A_168, %swap3A_169, %swap3A_170] : memref<1x64x16x432xf32, #tpu.memory_space<vmem>>, vector<1x64x1x432xf32>
    %swap3A_172 = vector.shape_cast %swap3A_171 : vector<1x64x1x432xf32> to vector<64x432xf32>
    %swap3A_173 = vector.shape_cast %slice3A_166 : vector<64x432xf32> to vector<1x64x1x432xf32>
    tpu.vector_store %arg4[%swap3A_167, %swap3A_168, %swap3A_169, %swap3A_170], %swap3A_173 {strides = array<i32>} : memref<1x64x16x432xf32, #tpu.memory_space<vmem>>, vector<1x64x1x432xf32>,
    %slice3A_174 = vector.extract_strided_slice %select_n3A_22 {offsets = [0, 3888], sizes = [3, 432], strides = [1, 1]} : vector<3x6912xf32> to vector<3x432xf32>
    %swap3A_175 = arith.constant 0 : index
    %swap3A_176 = arith.constant 0 : index
    %swap3A_177 = arith.constant 9 : index
    %swap3A_178 = arith.constant 0 : index
    %swap3A_179 = vector.load %arg5[%swap3A_175, %swap3A_176, %swap3A_177, %swap3A_178] : memref<1x3x16x432xf32, #tpu.memory_space<vmem>>, vector<1x3x1x432xf32>
    %swap3A_180 = vector.shape_cast %swap3A_179 : vector<1x3x1x432xf32> to vector<3x432xf32>
    %swap3A_181 = vector.shape_cast %slice3A_174 : vector<3x432xf32> to vector<1x3x1x432xf32>
    tpu.vector_store %arg5[%swap3A_175, %swap3A_176, %swap3A_177, %swap3A_178], %swap3A_181 {strides = array<i32>} : memref<1x3x16x432xf32, #tpu.memory_space<vmem>>, vector<1x3x1x432xf32>,
    %slice3A_182 = vector.extract_strided_slice %select_n3A_16 {offsets = [0, 4320], sizes = [64, 432], strides = [1, 1]} : vector<64x6912xf32> to vector<64x432xf32>
    %swap3A_183 = arith.constant 0 : index
    %swap3A_184 = arith.constant 0 : index
    %swap3A_185 = arith.constant 10 : index
    %swap3A_186 = arith.constant 0 : index
    %swap3A_187 = vector.load %arg4[%swap3A_183, %swap3A_184, %swap3A_185, %swap3A_186] : memref<1x64x16x432xf32, #tpu.memory_space<vmem>>, vector<1x64x1x432xf32>
    %swap3A_188 = vector.shape_cast %swap3A_187 : vector<1x64x1x432xf32> to vector<64x432xf32>
    %swap3A_189 = vector.shape_cast %slice3A_182 : vector<64x432xf32> to vector<1x64x1x432xf32>
    tpu.vector_store %arg4[%swap3A_183, %swap3A_184, %swap3A_185, %swap3A_186], %swap3A_189 {strides = array<i32>} : memref<1x64x16x432xf32, #tpu.memory_space<vmem>>, vector<1x64x1x432xf32>,
    %slice3A_190 = vector.extract_strided_slice %select_n3A_22 {offsets = [0, 4320], sizes = [3, 432], strides = [1, 1]} : vector<3x6912xf32> to vector<3x432xf32>
    %swap3A_191 = arith.constant 0 : index
    %swap3A_192 = arith.constant 0 : index
    %swap3A_193 = arith.constant 10 : index
    %swap3A_194 = arith.constant 0 : index
    %swap3A_195 = vector.load %arg5[%swap3A_191, %swap3A_192, %swap3A_193, %swap3A_194] : memref<1x3x16x432xf32, #tpu.memory_space<vmem>>, vector<1x3x1x432xf32>
    %swap3A_196 = vector.shape_cast %swap3A_195 : vector<1x3x1x432xf32> to vector<3x432xf32>
    %swap3A_197 = vector.shape_cast %slice3A_190 : vector<3x432xf32> to vector<1x3x1x432xf32>
    tpu.vector_store %arg5[%swap3A_191, %swap3A_192, %swap3A_193, %swap3A_194], %swap3A_197 {strides = array<i32>} : memref<1x3x16x432xf32, #tpu.memory_space<vmem>>, vector<1x3x1x432xf32>,
    %slice3A_198 = vector.extract_strided_slice %select_n3A_16 {offsets = [0, 4752], sizes = [64, 432], strides = [1, 1]} : vector<64x6912xf32> to vector<64x432xf32>
    %swap3A_199 = arith.constant 0 : index
    %swap3A_200 = arith.constant 0 : index
    %swap3A_201 = arith.constant 11 : index
    %swap3A_202 = arith.constant 0 : index
    %swap3A_203 = vector.load %arg4[%swap3A_199, %swap3A_200, %swap3A_201, %swap3A_202] : memref<1x64x16x432xf32, #tpu.memory_space<vmem>>, vector<1x64x1x432xf32>
    %swap3A_204 = vector.shape_cast %swap3A_203 : vector<1x64x1x432xf32> to vector<64x432xf32>
    %swap3A_205 = vector.shape_cast %slice3A_198 : vector<64x432xf32> to vector<1x64x1x432xf32>
    tpu.vector_store %arg4[%swap3A_199, %swap3A_200, %swap3A_201, %swap3A_202], %swap3A_205 {strides = array<i32>} : memref<1x64x16x432xf32, #tpu.memory_space<vmem>>, vector<1x64x1x432xf32>,
    %slice3A_206 = vector.extract_strided_slice %select_n3A_22 {offsets = [0, 4752], sizes = [3, 432], strides = [1, 1]} : vector<3x6912xf32> to vector<3x432xf32>
    %swap3A_207 = arith.constant 0 : index
    %swap3A_208 = arith.constant 0 : index
    %swap3A_209 = arith.constant 11 : index
    %swap3A_210 = arith.constant 0 : index
    %swap3A_211 = vector.load %arg5[%swap3A_207, %swap3A_208, %swap3A_209, %swap3A_210] : memref<1x3x16x432xf32, #tpu.memory_space<vmem>>, vector<1x3x1x432xf32>
    %swap3A_212 = vector.shape_cast %swap3A_211 : vector<1x3x1x432xf32> to vector<3x432xf32>
    %swap3A_213 = vector.shape_cast %slice3A_206 : vector<3x432xf32> to vector<1x3x1x432xf32>
    tpu.vector_store %arg5[%swap3A_207, %swap3A_208, %swap3A_209, %swap3A_210], %swap3A_213 {strides = array<i32>} : memref<1x3x16x432xf32, #tpu.memory_space<vmem>>, vector<1x3x1x432xf32>,
    %slice3A_214 = vector.extract_strided_slice %select_n3A_16 {offsets = [0, 5184], sizes = [64, 432], strides = [1, 1]} : vector<64x6912xf32> to vector<64x432xf32>
    %swap3A_215 = arith.constant 0 : index
    %swap3A_216 = arith.constant 0 : index
    %swap3A_217 = arith.constant 12 : index
    %swap3A_218 = arith.constant 0 : index
    %swap3A_219 = vector.load %arg4[%swap3A_215, %swap3A_216, %swap3A_217, %swap3A_218] : memref<1x64x16x432xf32, #tpu.memory_space<vmem>>, vector<1x64x1x432xf32>
    %swap3A_220 = vector.shape_cast %swap3A_219 : vector<1x64x1x432xf32> to vector<64x432xf32>
    %swap3A_221 = vector.shape_cast %slice3A_214 : vector<64x432xf32> to vector<1x64x1x432xf32>
    tpu.vector_store %arg4[%swap3A_215, %swap3A_216, %swap3A_217, %swap3A_218], %swap3A_221 {strides = array<i32>} : memref<1x64x16x432xf32, #tpu.memory_space<vmem>>, vector<1x64x1x432xf32>,
    %slice3A_222 = vector.extract_strided_slice %select_n3A_22 {offsets = [0, 5184], sizes = [3, 432], strides = [1, 1]} : vector<3x6912xf32> to vector<3x432xf32>
    %swap3A_223 = arith.constant 0 : index
    %swap3A_224 = arith.constant 0 : index
    %swap3A_225 = arith.constant 12 : index
    %swap3A_226 = arith.constant 0 : index
    %swap3A_227 = vector.load %arg5[%swap3A_223, %swap3A_224, %swap3A_225, %swap3A_226] : memref<1x3x16x432xf32, #tpu.memory_space<vmem>>, vector<1x3x1x432xf32>
    %swap3A_228 = vector.shape_cast %swap3A_227 : vector<1x3x1x432xf32> to vector<3x432xf32>
    %swap3A_229 = vector.shape_cast %slice3A_222 : vector<3x432xf32> to vector<1x3x1x432xf32>
    tpu.vector_store %arg5[%swap3A_223, %swap3A_224, %swap3A_225, %swap3A_226], %swap3A_229 {strides = array<i32>} : memref<1x3x16x432xf32, #tpu.memory_space<vmem>>, vector<1x3x1x432xf32>,
    %slice3A_230 = vector.extract_strided_slice %select_n3A_16 {offsets = [0, 5616], sizes = [64, 432], strides = [1, 1]} : vector<64x6912xf32> to vector<64x432xf32>
    %swap3A_231 = arith.constant 0 : index
    %swap3A_232 = arith.constant 0 : index
    %swap3A_233 = arith.constant 13 : index
    %swap3A_234 = arith.constant 0 : index
    %swap3A_235 = vector.load %arg4[%swap3A_231, %swap3A_232, %swap3A_233, %swap3A_234] : memref<1x64x16x432xf32, #tpu.memory_space<vmem>>, vector<1x64x1x432xf32>
    %swap3A_236 = vector.shape_cast %swap3A_235 : vector<1x64x1x432xf32> to vector<64x432xf32>
    %swap3A_237 = vector.shape_cast %slice3A_230 : vector<64x432xf32> to vector<1x64x1x432xf32>
    tpu.vector_store %arg4[%swap3A_231, %swap3A_232, %swap3A_233, %swap3A_234], %swap3A_237 {strides = array<i32>} : memref<1x64x16x432xf32, #tpu.memory_space<vmem>>, vector<1x64x1x432xf32>,
    %slice3A_238 = vector.extract_strided_slice %select_n3A_22 {offsets = [0, 5616], sizes = [3, 432], strides = [1, 1]} : vector<3x6912xf32> to vector<3x432xf32>
    %swap3A_239 = arith.constant 0 : index
    %swap3A_240 = arith.constant 0 : index
    %swap3A_241 = arith.constant 13 : index
    %swap3A_242 = arith.constant 0 : index
    %swap3A_243 = vector.load %arg5[%swap3A_239, %swap3A_240, %swap3A_241, %swap3A_242] : memref<1x3x16x432xf32, #tpu.memory_space<vmem>>, vector<1x3x1x432xf32>
    %swap3A_244 = vector.shape_cast %swap3A_243 : vector<1x3x1x432xf32> to vector<3x432xf32>
    %swap3A_245 = vector.shape_cast %slice3A_238 : vector<3x432xf32> to vector<1x3x1x432xf32>
    tpu.vector_store %arg5[%swap3A_239, %swap3A_240, %swap3A_241, %swap3A_242], %swap3A_245 {strides = array<i32>} : memref<1x3x16x432xf32, #tpu.memory_space<vmem>>, vector<1x3x1x432xf32>,
    %slice3A_246 = vector.extract_strided_slice %select_n3A_16 {offsets = [0, 6048], sizes = [64, 432], strides = [1, 1]} : vector<64x6912xf32> to vector<64x432xf32>
    %swap3A_247 = arith.constant 0 : index
    %swap3A_248 = arith.constant 0 : index
    %swap3A_249 = arith.constant 14 : index
    %swap3A_250 = arith.constant 0 : index
    %swap3A_251 = vector.load %arg4[%swap3A_247, %swap3A_248, %swap3A_249, %swap3A_250] : memref<1x64x16x432xf32, #tpu.memory_space<vmem>>, vector<1x64x1x432xf32>
    %swap3A_252 = vector.shape_cast %swap3A_251 : vector<1x64x1x432xf32> to vector<64x432xf32>
    %swap3A_253 = vector.shape_cast %slice3A_246 : vector<64x432xf32> to vector<1x64x1x432xf32>
    tpu.vector_store %arg4[%swap3A_247, %swap3A_248, %swap3A_249, %swap3A_250], %swap3A_253 {strides = array<i32>} : memref<1x64x16x432xf32, #tpu.memory_space<vmem>>, vector<1x64x1x432xf32>,
    %slice3A_254 = vector.extract_strided_slice %select_n3A_22 {offsets = [0, 6048], sizes = [3, 432], strides = [1, 1]} : vector<3x6912xf32> to vector<3x432xf32>
    %swap3A_255 = arith.constant 0 : index
    %swap3A_256 = arith.constant 0 : index
    %swap3A_257 = arith.constant 14 : index
    %swap3A_258 = arith.constant 0 : index
    %swap3A_259 = vector.load %arg5[%swap3A_255, %swap3A_256, %swap3A_257, %swap3A_258] : memref<1x3x16x432xf32, #tpu.memory_space<vmem>>, vector<1x3x1x432xf32>
    %swap3A_260 = vector.shape_cast %swap3A_259 : vector<1x3x1x432xf32> to vector<3x432xf32>
    %swap3A_261 = vector.shape_cast %slice3A_254 : vector<3x432xf32> to vector<1x3x1x432xf32>
    tpu.vector_store %arg5[%swap3A_255, %swap3A_256, %swap3A_257, %swap3A_258], %swap3A_261 {strides = array<i32>} : memref<1x3x16x432xf32, #tpu.memory_space<vmem>>, vector<1x3x1x432xf32>,
    %slice3A_262 = vector.extract_strided_slice %select_n3A_16 {offsets = [0, 6480], sizes = [64, 432], strides = [1, 1]} : vector<64x6912xf32> to vector<64x432xf32>
    %swap3A_263 = arith.constant 0 : index
    %swap3A_264 = arith.constant 0 : index
    %swap3A_265 = arith.constant 15 : index
    %swap3A_266 = arith.constant 0 : index
    %swap3A_267 = vector.load %arg4[%swap3A_263, %swap3A_264, %swap3A_265, %swap3A_266] : memref<1x64x16x432xf32, #tpu.memory_space<vmem>>, vector<1x64x1x432xf32>
    %swap3A_268 = vector.shape_cast %swap3A_267 : vector<1x64x1x432xf32> to vector<64x432xf32>
    %swap3A_269 = vector.shape_cast %slice3A_262 : vector<64x432xf32> to vector<1x64x1x432xf32>
    tpu.vector_store %arg4[%swap3A_263, %swap3A_264, %swap3A_265, %swap3A_266], %swap3A_269 {strides = array<i32>} : memref<1x64x16x432xf32, #tpu.memory_space<vmem>>, vector<1x64x1x432xf32>,
    %slice3A_270 = vector.extract_strided_slice %select_n3A_22 {offsets = [0, 6480], sizes = [3, 432], strides = [1, 1]} : vector<3x6912xf32> to vector<3x432xf32>
    %swap3A_271 = arith.constant 0 : index
    %swap3A_272 = arith.constant 0 : index
    %swap3A_273 = arith.constant 15 : index
    %swap3A_274 = arith.constant 0 : index
    %swap3A_275 = vector.load %arg5[%swap3A_271, %swap3A_272, %swap3A_273, %swap3A_274] : memref<1x3x16x432xf32, #tpu.memory_space<vmem>>, vector<1x3x1x432xf32>
    %swap3A_276 = vector.shape_cast %swap3A_275 : vector<1x3x1x432xf32> to vector<3x432xf32>
    %swap3A_277 = vector.shape_cast %slice3A_270 : vector<3x432xf32> to vector<1x3x1x432xf32>
    tpu.vector_store %arg5[%swap3A_271, %swap3A_272, %swap3A_273, %swap3A_274], %swap3A_277 {strides = array<i32>} : memref<1x3x16x432xf32, #tpu.memory_space<vmem>>, vector<1x3x1x432xf32>,
    return
  }
  func.func @transform_0(%arg0: i32, %arg1: i32) -> (i32, i32) {
    %mul3A = arith.constant 31 : i32
    %mul3A_0 = arith.muli %arg0, %mul3A : i32
    %add3A = arith.addi %mul3A_0, %arg1 : i32
    %c0_i32 = arith.constant 0 : i32
    %c0_i32_1 = arith.constant 0 : i32
    return %add3A, %c0_i32 : i32, i32
  }
  func.func @transform_1(%arg0: i32, %arg1: i32) -> (i32, i32) {
    %c0_i32 = arith.constant 0 : i32
    %c0_i32_0 = arith.constant 0 : i32
    return %c0_i32, %arg1 : i32, i32
  }
  func.func @transform_2(%arg0: i32, %arg1: i32) -> (i32, i32, i32, i32) {
    %c0_i32 = arith.constant 0 : i32
    %c0_i32_0 = arith.constant 0 : i32
    %c0_i32_1 = arith.constant 0 : i32
    return %arg0, %c0_i32, %arg1, %c0_i32_0 : i32, i32, i32, i32
  }
  func.func @transform_3(%arg0: i32, %arg1: i32) -> (i32, i32, i32, i32) {
    %c0_i32 = arith.constant 0 : i32
    %c0_i32_0 = arith.constant 0 : i32
    %c0_i32_1 = arith.constant 0 : i32
    return %arg0, %c0_i32, %arg1, %c0_i32_0 : i32, i32, i32, i32
  }
}

</mosaic_0001>

<sc_bundles>
// kernel: kernel.4.cloned.1.call-start
scs
__scs_entry_jumppad:
0x0: {  	(pc) =	sbr.rel $0x88, $3  }
0x1: {  	(tag) =	ssettag $0x0;
	lr =	simm.s32 $0x1  }
0x2: {  	[smem:$0x3F9E] =	sst lr;
	_ =	strace $0xD0000000  }
0x3: {  	_ = 	snop  }
0x4: {  	_ = 	snop  }
0x5: {  	_ = 	snop  }
0x6: {  	_ = 	snop  }
0x7: {  	_ = 	snop  }
__scs_overlays_trampoline_lowered:
0x8: {  	[smem:$0x3FAD] =	sst s0  }
0x9: {  	[smem:$0x3FAE] =	sst s1  }
0xa: {  	[smem:$0x3FAF] =	sst s2  }
0xb: {  	[smem:$0x3FB0] =	sst s3  }
0xc: {  	[smem:$0x3FB1] =	sst s4  }
0xd: {  	[smem:$0x3FB2] =	sst s5  }
0xe: {  	[smem:$0x3FB3] =	sst s6  }
0xf: {  	[smem:$0x3FB4] =	sst s7  }
0x10: {  	[smem:$0x3FB5] =	sst s8  }
0x11: {  	[smem:$0x3FB6] =	sst s9;
	s0 =	simm.s32 @!p0 $0x0  }
0x12: {  	s1 =	sld [smem:$0x3F9C];
	s0 =	simm.s32 @p0 $0x1  }
0x13: {  	[smem:$0x3FB7] =	sst s0;
	s0 =	simm.s32 @!p1 $0x0  }
0x14: {  	s2 =	sld [smem:$0x3F9B];
	s0 =	simm.s32 @p1 $0x1  }
0x15: {  	[smem:$0x3FB8] =	sst s0;
	s0 =	simm.s32 @!p2 $0x0  }
0x16: {  	s3 =	sld [smem:$0x3FDB];
	s0 =	simm.s32 @p2 $0x1  }
0x17: {  	s4 =	simm.s32 $0x1BF5;
	[smem:$0x3FBA] =	sst s0  }
0x18: {  	s0 =	sld [smem:$0x3F9D];
	_ =	swait.ge [sflag:s4], $0x0  }
0x19: {  	s7 =	sld [smem:$0x3F9E]  }
0x1a: {  	s8 =	sadd.s32 $0xFFFFE003, lr  }
0x1b: {  	s9 =	sadd.s32 $0xFFFFFEF7, lr;
	s5 =	simm.s32 $0xFFFFFFFF;
	p2 =	slt.u32 s8, $0xFFFFF086  }
0x1c: {  	p1 =	slt.u32 s9, $0xF7A;
	s5 =	simm.s32 @!p2 $0x0  }
0x1d: {  	s5 =	simm.s32 @p1 $0x1;
	p0 =	seq.s32 s7, s2  }
0x1e: {  	s7 =	smul.u32 @!p0 $0xF7A, s2;
	p2 =	seq.s32 @!p0 s5, $0x0  }
0x1f: {  	s9 =	smul.u32 $0xF7A, s1;
	s8 =	simm.s32 @!p0 $0x1BF5;
	p2 =	por !p2, p0  }
0x20: {  	[sflag:s8] =	ssyncset.s32 @!p0 $0xFFFFF086;
	s6 =	sadd.s32 @!p0 s3, s7;
	s7 =	simm.s32 @!p0 $0x108  }
0x21: {  	s3 =	sadd.s32 s3, s9;
	s6 =	sadd.s32 @!p0 $0x88, s6;
	s7 =	simm.s32 @p2 $0x1082  }
0x22: {  	[simem:s7], [sflag:s8] =	dma.local @!p0 [hbm:s6], $0xF7A  }
0x23: {  	s9 =	sor.u32 $0xD0000000, s2;
	s6 =	simm.s32 $0x108;
	_ =	swait.ge @!p0 [sflag:s8], $0x0  }
0x24: {  	s3 =	sadd.s32 $0x88, s3;
	s6 =	simm.s32 @!p1 $0x1082;
	[sflag:s4] =	ssyncset.s32 $0xFFFFF086  }
0x25: {  	[simem:s6], [sflag:s4] =	dma.local [hbm:s3], $0xF7A  }
0x26: {  	[smem:$0x3F9E] =	sst s1;
	(tag) =	ssettag s2;
	_ =	strace s9  }
0x27: {  	s1 =	sld [smem:$0x3FAE]  }
0x28: {  	s2 =	sld [smem:$0x3FAF]  }
0x29: {  	s4 =	sld [smem:$0x3FB1]  }
0x2a: {  	p0 =	seq.s32 s5, $0x0;
	s5 =	sld [smem:$0x3FB2]  }
0x2b: {  	s6 =	sld [smem:$0x3FB3]  }
0x2c: {  	s7 =	sld [smem:$0x3FB4]  }
0x2d: {  	s3 =	simm.s32 $0x108;
	s8 =	sld [smem:$0x3FB5]  }
0x2e: {  	s3 =	simm.s32 @!p0 $0x1082;
	s9 =	sld [smem:$0x3FB6]  }
0x2f: {  	lr =	sadd.s32 s0, s3;
	s0 =	sld [smem:$0x3FAD]  }
0x30: {  	s3 =	sld [smem:$0x3FB0]  }
0x31: {  	[smem:$0x3FB9] =	sst s10  }
0x32: {  	s10 =	sld [smem:$0x3FB7];
	_ =	sdelay $0x3  }
0x33: {  	p0 =	seq.s32 s10, $0x1;
	s10 =	sld [smem:$0x3FB9];
	_ =	sdelay $0x3  }
0x34: {  	[smem:$0x3FB9] =	sst s10  }
0x35: {  	s10 =	sld [smem:$0x3FB8];
	_ =	sdelay $0x3  }
0x36: {  	p1 =	seq.s32 s10, $0x1;
	s10 =	sld [smem:$0x3FB9];
	_ =	sdelay $0x3  }
0x37: {  	[smem:$0x3FB9] =	sst s10  }
0x38: {  	s10 =	sld [smem:$0x3FBA]  }
0x39: {  	_ = 	snop;
	(pc) =	sbr.ind lr, $3  }
0x3a: {  	_ = 	snop  }
0x3b: {  	_ = 	snop  }
0x3c: {  	p2 =	seq.s32 s10, $0x1;
	s10 =	sld [smem:$0x3FB9]  }
0x3d: {  	_ =	shalt  }
0x3e: {  	_ =	shalt  }
0x3f: {  	_ =	shalt  }
0x40: {  	_ =	shalt  }
0x41: {  	_ =	shalt  }
0x42: {  	_ =	shalt  }
0x43: {  	_ =	shalt  }
0x44: {  	_ =	shalt  }
0x45: {  	_ =	shalt  }
0x46: {  	_ =	shalt  }
0x47: {  	_ =	shalt  }
0x48: {  	_ =	shalt  }
0x49: {  	_ =	shalt  }
0x4a: {  	_ =	shalt  }
0x4b: {  	_ =	shalt  }
0x4c: {  	_ =	shalt  }
0x4d: {  	_ =	shalt  }
0x4e: {  	_ =	shalt  }
0x4f: {  	_ =	shalt  }
0x50: {  	_ =	shalt  }
0x51: {  	_ =	shalt  }
0x52: {  	_ =	shalt  }
0x53: {  	_ =	shalt  }
0x54: {  	_ =	shalt  }
0x55: {  	_ =	shalt  }
0x56: {  	_ =	shalt  }
0x57: {  	_ =	shalt  }
0x58: {  	_ =	shalt  }
0x59: {  	_ =	shalt  }
0x5a: {  	_ =	shalt  }
0x5b: {  	_ =	shalt  }
0x5c: {  	_ =	shalt  }
0x5d: {  	_ =	shalt  }
0x5e: {  	_ =	shalt  }
0x5f: {  	_ =	shalt  }
0x60: {  	_ =	shalt  }
0x61: {  	_ =	shalt  }
0x62: {  	_ =	shalt  }
0x63: {  	_ =	shalt  }
0x64: {  	_ =	shalt  }
0x65: {  	_ =	shalt  }
0x66: {  	_ =	shalt  }
0x67: {  	_ =	shalt  }
0x68: {  	_ =	shalt  }
0x69: {  	_ =	shalt  }
0x6a: {  	_ =	shalt  }
0x6b: {  	_ =	shalt  }
0x6c: {  	_ =	shalt  }
0x6d: {  	_ =	shalt  }
0x6e: {  	_ =	shalt  }
0x6f: {  	_ =	shalt  }
0x70: {  	_ =	shalt  }
0x71: {  	_ =	shalt  }
0x72: {  	_ =	shalt  }
0x73: {  	_ =	shalt  }
0x74: {  	_ =	shalt  }
0x75: {  	_ =	shalt  }
0x76: {  	_ =	shalt  }
0x77: {  	_ =	shalt  }
0x78: {  	_ =	shalt  }
0x79: {  	_ =	shalt  }
0x7a: {  	_ =	shalt  }
0x7b: {  	_ =	shalt  }
0x7c: {  	_ =	shalt  }
0x7d: {  	_ =	shalt  }
0x7e: {  	_ =	shalt  }
0x7f: {  	_ =	shalt  }
0x80: {  	_ =	shalt  }
0x81: {  	_ =	shalt  }
0x82: {  	_ =	shalt  }
0x83: {  	_ =	shalt  }
0x84: {  	_ =	shalt  }
0x85: {  	_ =	shalt  }
0x86: {  	_ =	shalt  }
0x87: {  	_ =	shalt  }
.Lfunc_end0:
.L_simem_size_0:
called_computation_lowered:
.L_overlay_start_0:
0x88: {  	s2 =	sld [smem:$0x3FD9]  }
0x89: {  	s3 =	sld [smem:$0x3FFE];
	_ =	sdelay $0x1  }
0x8a: {  	s1 =	srdreg.scid  }
0x8b: {  	s0 =	sand.u32 $0x1, s1  }
0x8c: {  	s14 =	sshll.u32 s0, $0xA;
	s2 =	sadd.s32 s3, s2  }
0x8d: {  	s2 =	sadd.s32 s2, s14  }
0x8e: {  	[smem:$0x3FC5] =	sst s2  }
0x8f: {  	_ = 	snop  }
0x90: {  	s2 =	sld [smem:$0x3FD0];
	_ =	sdelay $0x2  }
0x91: {  	s15 =	simm.s32 $0xA;
	s4 =	simm.s32 $0x10  }
0x92: {  	[smem:s4], [sflag:s15] =	dma.local [hbm:s2], $0x1  }
0x93: {  	_ =	swait.eq [sflag:s15], $0x1  }
0x94: {  	[sflag:s15] =	ssyncset.done $0x0  }
0x95: {  	[sflag:s15] =	ssyncadd.s32 $0xFFFFFFFF  }
0x96: {  	s16 =	sld [smem:$0x11];
	(tm) =	ssettm $0x1  }
0x97: {  	s17 =	sld [smem:$0x3FFB];
	_ =	sdelay $0x3  }
0x98: {  	_ =	strace s17  }
0x99: {  	s3 =	sld [smem:$0x3FFC];
	_ =	sdelay $0x3  }
0x9a: {  	_ =	strace s3  }
0x9b: {  	s3 =	sld [smem:$0x3FFD];
	_ =	sdelay $0x3  }
0x9c: {  	_ =	strace s3  }
0x9d: {  	_ =	strace $0x8FFFFFFF  }
0x9e: {  	s18 =	sld [smem:$0x3FDB];
	_ =	sdelay $0x1  }
0x9f: {  	s19 =	simm.s32 $_scs_section_size  }
0xa0: {  	s5 =	simm.s32 $_size__tile_overlayer_lowered;
	s6 =	simm.s32 $_tile_overlayer_lowered  }
0xa1: {  	s22 =	simm.s32 $0x1BFF;
	s21 =	sshll.u32 s6, $0x1;
	s3 =	sadd.s32 s19, s18  }
0xa2: {  	s7 =	simm.s32 $0x0;
	s20 =	sshll.u32 s5, $0x1;
	s5 =	sadd.s32 s21, s3  }
0xa3: {  	[timem:s7], [sflag:s22] =	dma.local [hbm:s5], s20  }
0xa4: {  	_ =	swait.ge [sflag:s22], s20  }
0xa5: {  	s4 =	ssub.s32 $0x0, s20;
	[sflag:s22] =	ssyncset.done $0x0  }
0xa6: {  	[sflag:s22] =	ssyncadd.s32 s4;
	_ =	sdelay $0x1  }
0xa7: {  	s23 =	simm.s32 $0x1B8B  }
0xa8: {  	_ =	swait.ge [sflag:s23], $0x1  }
0xa9: {  	[sflag:s23] =	ssyncset.done $0x0  }
0xaa: {  	s25 =	simm.s32 $0x1B8E;
	s24 =	sld [smem:$0x3FFE];
	[sflag:s23] =	ssyncadd.s32 $0xFFFFFFFF  }
0xab: {  	s26 =	simm.s32 $execute0_lowered;
	[smem:$0x3FD2] =	sst s25  }
0xac: {  	s5 =	sshll.u32 s26, $0x1;
	_ =	strace $0x80000046;
	[dreg:$0x1] =	wrdreg $0xFFFFFFFF  }
0xad: {  	s28 =	simm.s32 $_size_execute0_lowered;
	s3 =	sadd.s32 s3, s5;
	[dreg:$0x0] =	wrdreg $0x0  }
0xae: {  	s5 =	sshll.u32 s28, $0x1;
	[dreg:$0x2] =	wrdreg s3  }
0xaf: {  	[dreg:$0x3] =	wrdreg s5  }
0xb0: {  	[dreg:$0x4] =	wrdreg $0xC0  }
0xb1: {  	_ =	task [dreg:s7], $0x5FFFF  }
0xb2: {  	[dreg:$0x1] =	wrdreg $0xFFFFFFFF  }
0xb3: {  	[dreg:$0x0] =	wrdreg $0x60  }
0xb4: {  	[dreg:$0x2] =	wrdreg s24  }
0xb5: {  	[dreg:$0x3] =	wrdreg s16  }
0xb6: {  	[dreg:$0x4] =	wrdreg $0x9  }
0xb7: {  	_ =	task.clear_ibuf [dreg:s7], $0x5FFFF;
	_ =	strace $0x90000046  }
0xb8: {  	s29 =	simm.s32 $0x9;
	_ =	strace $0x80000048  }
0xb9: {  	_ =	swait.ge [sflag:s29], $0x1  }
0xba: {  	[sflag:s29] =	ssyncadd.s32 $0xFFFFFFFF  }
0xbb: {  	_ =	strace $0x90000048  }
0xbc: {  	_ =	sfence  }
0xbd: {  	s30 =	sld [smem:$0x0];
	_ =	sdelay $0x2  }
0xbe: {  	s31 =	sshll.u32 s1, $0xD;
	s1 =	sshrl.u32 s1, $0x2  }
0xbf: {  	s3 =	sand.u32 $0x4000, s31;
	s1 =	sadd.s32 s1, s30  }
0xc0: {  	s0 =	sor.u32 s3, s0;
	s1 =	sshll.u32 s1, $0x11  }
0xc1: {  	s0 =	sor.u32 s1, s0  }
0xc2: {  	s0 =	sadd.s32 $0x8F2B, s0  }
0xc3: {  	[sflag:s0] =	ssyncadd.remote.s32 $0x1  }
0xc4: {  	_ =	sfence.sel $0xFFFF  }
0xc5: {  	[dreg:$0x0] =	wrdreg $0xFFFFFFFF;
	(pc) =	sbr.abs _section_cstart, $3  }
0xc6: {  	[dreg:$0x1] =	wrdreg $0xFFFFFFFF  }
0xc7: {  	_ =	task.clear_ibuf [dreg:s7], $0x2FFFF;
	_ =	strace $0x9FFFFFFF  }
0xc8: {  	(tm) =	ssettm $0x7FFFFFFF  }
0xc9: {  	_ =	shalt  }
tec
execute0_lowered:
.L_overlay_start_1:
0x0: {  	(tag) =	ssettag $0x1  }
0x1: {  	s9 =	rddreg [dreg:$0x0]  }
0x2: {  	s10 =	rddreg [dreg:$0x1]  }
0x3: {  	s0 =	rddreg [dreg:$0x2];
	s2 =	simm.s32 $0x0  }
0x4: {  	s3 =	srdreg.scid;
	s1 =	stileid.u32;
	s17 =	simm.s32 $0x17B80  }
0x5: {  	s18 =	simm.s32 $0x17C00;
	s19 =	simm.s32 $0x17B00;
	s20 =	simm.s32 $0x2  }
0x6: {  	s21 =	simm.s32 $0x3;
	s22 =	simm.s32 $0x0;
	[smem:$0x7FF] =	sst s2  }
0x7: {  	s8 =	sand.u32 $0x1, s3;
	s31 =	sshll.u32 s1, $0x1;
	s3 =	sadd.s32 $0x1200, s9  }
0x8: {  	s5 =	sadd.s32 $0x9EA00, s9;
	s14 =	smul.u32 $0xD140, s1;
	_ =	strace $0x80000047  }
0x9: {  	s6 =	ssub.s32 $0x2, s8;
	s4 =	sor.u32 s8, s31;
	s16 =	smul.u32 $0x68A0, s8  }
0xa: {  	s8 =	sadd.s32 $0x1DB8, s9;
	s7 =	sshrl.u32 s6, $0x1;
	s11 =	smul.u32 $0x68A0, s4  }
.Ltmp0:
0xb: {  	v2 =	vlaneseq.u32;
	s4 =	sadd.s32 $0x2600, s9;
	s12 =	ssub.s32 s6, s7;
	(pc) =	sbr.rel .LBB2_1-.Ltmp0, $4  }
0xc: {  	v3 =	vimm.s32 $0x0;
	v4 =	vor.u32 $0xD1400, v2;
	s6 =	sadd.s32 $0x15E8, s9;
	s7 =	sadd.s32 $0x19D0, s9;
	s9 =	sadd.s32 $0x21A0, s9  }
0xd: {  	v5 =	vor.u32 $0xD1410, v2;
	v6 =	vor.u32 $0xD1420, v2;
	s13 =	sadd.s32 $0x68A0, s11;
	s15 =	sshrl.u32 s11, $0x3;
	v0 =	vmov s11;
	s11 =	smax.u32 s12, $0x1  }
0xe: {  	v7 =	vor.u32 $0xD1430, v2;
	v8 =	vor.u32 $0xD1440, v2;
	v9 =	vor.u32 $0xD1450, v2;
	s12 =	sadd.s32 s16, s14;
	s14 =	simm.s32 $0x1;
	s16 =	simm.s32 $0x80  }
0xf: {  	v10 =	vor.u32 $0xD1460, v2;
	v11 =	vor.u32 $0xD1470, v2;
	s10 =	sadd.s32 s10, s15;
	v1 =	vmov s13;
	s13 =	simm.s32 $0x15B80;
	s15 =	simm.s32 $0x13C00  }
.LBB2_18:
0x10: {  	[sflag:s20] =	ssyncadd.s32 $0xFFFFC000  }
.LBB2_19:
0x11: {  	s22 =	sadd.s32 $0x1, s22  }
0x12: {  	p0 =	sne.s32 s22, s11  }
.Ltmp1:
0x13: {  	_ = 	snop;
	(pc) =	sbr.rel @!p0 .LBB2_20-.Ltmp1, $4  }
0x14: {  	[hbm4b:s10+s2] =	stream.linear.scatter [tilespmem:s2], [sflag:$0x3], $0x68A0, $0x38;
	[tilespmem:$0x1BC00] =	vst v63  }
0x15: {  	_ =	swait.ge [sflag:s21], $0x68A0  }
0x16: {  	[sflag:s21] =	ssyncset.done $0x0  }
0x17: {  	[sflag:s21] =	ssyncadd.s32 $0xFFFF9760  }
.LBB2_1:
0x18: {  	s23 =	simm.s32 $0x40;
	s24 =	simm.s32 $0x0  }
.LBB2_2:
0x19: {  	p0 =	sne.s32 s23, $0x1A240;
	[tilespmem:s24+$0x0] =	vst v3;
	s24 =	smov.u32 s23;
	s23 =	sadd.s32 $0x40, s23  }
.Ltmp2:
0x1a: {  	(pc) =	sbr.rel @p0 .LBB2_2-.Ltmp2, $2  }
0x1b: {  	_ =	sdelay $0x2  }
0x1c: {  	s24 =	sshra.s32 s24, $0x2  }
0x1d: {  	[tilespmem:s24+$0x0] =	vst v3;
	s24 =	simm.s32 $0x13C00;
	s23 =	simm.s32 $0x1  }
0x1e: {  	[tilespmem:s24], [sflag:$0x1] =	stream.linear.gather [hbm4b:s3+s2], $0x1F40, $0x38;
	[tilespmem:$0x1BC00] =	vst v63  }
0x1f: {  	_ =	swait.ge [sflag:s23], $0x1F40  }
0x20: {  	[sflag:s23] =	ssyncset.done $0x0  }
0x21: {  	[sflag:s23] =	ssyncadd.s32 $0xFFFFE0C0  }
0x22: {  	[tilespmem:s13], [sflag:$0x1] =	stream.linear.gather [hbm4b:s6+s2], $0x1F40, $0x38;
	[tilespmem:$0x1BC00] =	vst v63  }
0x23: {  	s25 =	simm.s32 $0x11;
	v12 =	vld [tilespmem:s24+$0x0]  }
.LBB2_4:
0x24: {  	p0 =	sne.s32 s25, $0x1F31;
	_ =	sdelay $0x3  }
0x25: {  	vm0 =	vge.s32 v12, v0;
	vm1 =	vlt.s32 v12, v1  }
0x26: {  	vm0 =	vmand vm0, vm1  }
0x27: {  	v12 =	vsub.s32 v12, v0;
	_ =	sdelay $0x1  }
.Ltmp3:
0x28: {  	(pc) =	sbr.rel @p0 .LBB2_4-.Ltmp3, $4  }
0x29: {  	_ = 	snop  }
0x2a: {  	v13 =	vadd.s32 s23, v2;
	s23 =	smov.u32 s25  }
0x2b: {  	s24 =	sadd.s32 $0x10, s24;
	[tilespmem:v12+s2+$0x0] =	vst.idx.msk vm0, v13  }
0x2c: {  	s25 =	sadd.s32 $0x10, s25;
	v12 =	vld [tilespmem:s24+$0x0]  }
0x2d: {  	_ =	sdelay $0x3  }
0x2e: {  	vm0 =	vge.s32 v12, v0;
	vm1 =	vlt.s32 v12, v1  }
0x2f: {  	vm0 =	vmand vm0, vm1  }
0x30: {  	v12 =	vsub.s32 v12, v0;
	_ =	sdelay $0x3  }
0x31: {  	v13 =	vadd.s32 s23, v2  }
0x32: {  	[tilespmem:v12+s2+$0x0] =	vst.idx.msk vm0, v13  }
0x33: {  	_ =	swait.ge [sflag:s14], $0x1F40  }
0x34: {  	[sflag:s14] =	ssyncset.done $0x0  }
0x35: {  	s24 =	simm.s32 $0x15B80;
	[sflag:s14] =	ssyncadd.s32 $0xFFFFE0C0  }
0x36: {  	[tilespmem:s15], [sflag:$0x1] =	stream.linear.gather [hbm4b:s7+s2], $0x1F40, $0x38;
	[tilespmem:$0x1BC00] =	vst v63  }
0x37: {  	s23 =	simm.s32 $0x1F41;
	s25 =	simm.s32 $0x1F51;
	v12 =	vld [tilespmem:s24+$0x0]  }
.LBB2_6:
0x38: {  	p0 =	sne.s32 s25, $0x3E71;
	_ =	sdelay $0x3  }
0x39: {  	vm0 =	vge.s32 v12, v0;
	vm1 =	vlt.s32 v12, v1  }
0x3a: {  	vm0 =	vmand vm0, vm1  }
0x3b: {  	v12 =	vsub.s32 v12, v0;
	_ =	sdelay $0x1  }
.Ltmp4:
0x3c: {  	(pc) =	sbr.rel @p0 .LBB2_6-.Ltmp4, $4  }
0x3d: {  	_ = 	snop  }
0x3e: {  	v13 =	vadd.s32 s23, v2;
	s23 =	smov.u32 s25  }
0x3f: {  	s24 =	sadd.s32 $0x10, s24;
	[tilespmem:v12+s2+$0x0] =	vst.idx.msk vm0, v13  }
0x40: {  	s25 =	sadd.s32 $0x10, s25;
	v12 =	vld [tilespmem:s24+$0x0]  }
0x41: {  	_ =	sdelay $0x3  }
0x42: {  	vm0 =	vge.s32 v12, v0;
	vm1 =	vlt.s32 v12, v1  }
0x43: {  	vm0 =	vmand vm0, vm1  }
0x44: {  	v12 =	vsub.s32 v12, v0;
	_ =	sdelay $0x3  }
0x45: {  	v13 =	vadd.s32 s23, v2  }
0x46: {  	[tilespmem:v12+s2+$0x0] =	vst.idx.msk vm0, v13  }
0x47: {  	_ =	swait.ge [sflag:s14], $0x1F40  }
0x48: {  	[sflag:s14] =	ssyncset.done $0x0  }
0x49: {  	s24 =	simm.s32 $0x13C00;
	[sflag:s14] =	ssyncadd.s32 $0xFFFFE0C0  }
0x4a: {  	[tilespmem:s13], [sflag:$0x1] =	stream.linear.gather [hbm4b:s8+s2], $0x1F40, $0x38;
	[tilespmem:$0x1BC00] =	vst v63  }
0x4b: {  	s23 =	simm.s32 $0x3E81;
	s25 =	simm.s32 $0x3E91;
	v12 =	vld [tilespmem:s24+$0x0]  }
.LBB2_8:
0x4c: {  	p0 =	sne.s32 s25, $0x5DB1;
	_ =	sdelay $0x3  }
0x4d: {  	vm0 =	vge.s32 v12, v0;
	vm1 =	vlt.s32 v12, v1  }
0x4e: {  	vm0 =	vmand vm0, vm1  }
0x4f: {  	v12 =	vsub.s32 v12, v0;
	_ =	sdelay $0x1  }
.Ltmp5:
0x50: {  	(pc) =	sbr.rel @p0 .LBB2_8-.Ltmp5, $4  }
0x51: {  	_ = 	snop  }
0x52: {  	v13 =	vadd.s32 s23, v2;
	s23 =	smov.u32 s25  }
0x53: {  	s24 =	sadd.s32 $0x10, s24;
	[tilespmem:v12+s2+$0x0] =	vst.idx.msk vm0, v13  }
0x54: {  	s25 =	sadd.s32 $0x10, s25;
	v12 =	vld [tilespmem:s24+$0x0]  }
0x55: {  	_ =	sdelay $0x3  }
0x56: {  	vm0 =	vge.s32 v12, v0;
	vm1 =	vlt.s32 v12, v1  }
0x57: {  	vm0 =	vmand vm0, vm1  }
0x58: {  	v12 =	vsub.s32 v12, v0;
	_ =	sdelay $0x3  }
0x59: {  	v13 =	vadd.s32 s23, v2  }
0x5a: {  	[tilespmem:v12+s2+$0x0] =	vst.idx.msk vm0, v13  }
0x5b: {  	_ =	swait.ge [sflag:s14], $0x1F40  }
0x5c: {  	[sflag:s14] =	ssyncset.done $0x0  }
0x5d: {  	s24 =	simm.s32 $0x15B80;
	[sflag:s14] =	ssyncadd.s32 $0xFFFFE0C0  }
0x5e: {  	[tilespmem:s15], [sflag:$0x1] =	stream.linear.gather [hbm4b:s9+s2], $0x1F40, $0x38;
	[tilespmem:$0x1BC00] =	vst v63  }
0x5f: {  	s23 =	simm.s32 $0x5DC1;
	s25 =	simm.s32 $0x5DD1;
	v12 =	vld [tilespmem:s24+$0x0]  }
.LBB2_10:
0x60: {  	p0 =	sne.s32 s25, $0x7CF1;
	_ =	sdelay $0x3  }
0x61: {  	vm0 =	vge.s32 v12, v0;
	vm1 =	vlt.s32 v12, v1  }
0x62: {  	vm0 =	vmand vm0, vm1  }
0x63: {  	v12 =	vsub.s32 v12, v0;
	_ =	sdelay $0x1  }
.Ltmp6:
0x64: {  	(pc) =	sbr.rel @p0 .LBB2_10-.Ltmp6, $4  }
0x65: {  	_ = 	snop  }
0x66: {  	v13 =	vadd.s32 s23, v2;
	s23 =	smov.u32 s25  }
0x67: {  	s24 =	sadd.s32 $0x10, s24;
	[tilespmem:v12+s2+$0x0] =	vst.idx.msk vm0, v13  }
0x68: {  	s25 =	sadd.s32 $0x10, s25;
	v12 =	vld [tilespmem:s24+$0x0]  }
0x69: {  	_ =	sdelay $0x3  }
0x6a: {  	vm0 =	vge.s32 v12, v0;
	vm1 =	vlt.s32 v12, v1  }
0x6b: {  	vm0 =	vmand vm0, vm1  }
0x6c: {  	v12 =	vsub.s32 v12, v0;
	_ =	sdelay $0x3  }
0x6d: {  	v13 =	vadd.s32 s23, v2  }
0x6e: {  	[tilespmem:v12+s2+$0x0] =	vst.idx.msk vm0, v13  }
0x6f: {  	_ =	swait.ge [sflag:s14], $0x1F40  }
0x70: {  	[sflag:s14] =	ssyncset.done $0x0  }
0x71: {  	s25 =	simm.s32 $0x13C00;
	[sflag:s14] =	ssyncadd.s32 $0xFFFFE0C0  }
0x72: {  	s24 =	simm.s32 $0x7D01;
	s26 =	simm.s32 $0x7D11;
	v12 =	vld [tilespmem:s25+$0x0]  }
.LBB2_12:
0x73: {  	p0 =	sne.s32 s26, $0x9C31;
	_ =	sdelay $0x3  }
0x74: {  	vm0 =	vge.s32 v12, v0;
	vm1 =	vlt.s32 v12, v1  }
0x75: {  	vm0 =	vmand vm0, vm1  }
0x76: {  	v12 =	vsub.s32 v12, v0;
	_ =	sdelay $0x1  }
.Ltmp7:
0x77: {  	(pc) =	sbr.rel @p0 .LBB2_12-.Ltmp7, $4  }
0x78: {  	_ = 	snop  }
0x79: {  	v13 =	vadd.s32 s24, v2;
	s23 =	simm.s32 $0x0;
	s24 =	smov.u32 s26  }
0x7a: {  	s25 =	sadd.s32 $0x10, s25;
	[tilespmem:v12+s23+$0x0] =	vst.idx.msk vm0, v13  }
0x7b: {  	s26 =	sadd.s32 $0x10, s26;
	v12 =	vld [tilespmem:s25+$0x0]  }
0x7c: {  	_ =	sdelay $0x3  }
0x7d: {  	vm0 =	vge.s32 v12, v0;
	vm1 =	vlt.s32 v12, v1  }
0x7e: {  	vm0 =	vmand vm0, vm1  }
0x7f: {  	v61 =	vsub.s32 v12, v0;
	_ =	sdelay $0x3  }
0x80: {  	v13 =	vadd.s32 s24, v2  }
0x81: {  	s31 =	simm.s32 $0x0;
	[tilespmem:v61+s23+$0x0] =	vst.idx.msk vm0, v13  }
0x82: {  	v12 =	vld [tilespmem:s31+$0x0];
	_ =	sdelay $0x4  }
0x83: {  	vm15 =	vgt.s32 v12, $0x0  }
0x84: {  	v62 =	vsel vm15, $0x1, v3  }
0x85: {  	(xrf0) =	vadd.scan.msk.s32 $0xffff, v62;
	_ =	sdelay $0x5  }
0x86: {  	v14, _, _ =	vpop (xrf0)  }
0x87: {  	v63 =	vor.u32 s12, v2;
	(v2sf) =	vpush v14, $0xF  }
0x88: {  	v12 =	vadd.s32 $0xFFFFFFFF, v12;
	[tilespmem:s23+$0x6900] =	vst.msk vm15, v63  }
0x89: {  	s26 =	simm.s32 $0x10;
	s25 =	simm.s32 $0x80;
	s24 =	smov.u32 s12;
	[tilespmem:s23+$0xD280] =	vst.msk vm15, v12  }
.LBB2_14:
0x8a: {  	p0 =	sne.s32 s25, $0x1A240;
	v12 =	vld [tilespmem:s26+$0x0];
	_ =	sdelay $0x4  }
0x8b: {  	vm0 =	vgt.s32 v12, $0x0;
	v12 =	vadd.s32 $0xFFFFFFFF, v12  }
0x8c: {  	v13 =	vsel vm0, $0x1, v3  }
0x8d: {  	(xrf0) =	vadd.scan.msk.s32 $0xffff, v13;
	_ =	sdelay $0x4  }
.Ltmp8:
0x8e: {  	s24 =	sadd.s32 $0x10, s24;
	s26 =	spop (v2sf);
	(pc) =	sbr.rel @p0 .LBB2_14-.Ltmp8, $4  }
0x8f: {  	v13 =	vor.u32 s24, v2;
	v14, _, _ =	vpop (xrf0);
	s23 =	sadd.s32 s23, s26  }
0x90: {  	[tilespmem:s23+$0x6900] =	vst.msk vm0, v13;
	(v2sf) =	vpush v14, $0xF  }
0x91: {  	[tilespmem:s23+$0xD280] =	vst.msk vm0, v12  }
0x92: {  	s26 =	sshra.s32 s25, $0x2;
	s25 =	sadd.s32 $0x40, s25  }
0x93: {  	v12 =	vld [tilespmem:s26+$0x0];
	_ =	sdelay $0x4  }
0x94: {  	vm0 =	vgt.s32 v12, $0x0  }
0x95: {  	v13 =	vsel vm0, $0x1, v3  }
0x96: {  	(xrf0) =	vadd.scan.msk.s32 $0xffff, v13;
	_ =	sdelay $0x5  }
0x97: {  	v13, _, _ =	vpop (xrf0)  }
0x98: {  	(v2sf) =	vpush v13, $0xF;
	_ =	sdelay $0xc  }
0x99: {  	s24 =	sadd.s32 $0x10, s24;
	s25 =	spop (v2sf)  }
0x9a: {  	v63 =	vor.u32 s24, v2;
	s23 =	sadd.s32 s23, s25  }
0x9b: {  	v12 =	vadd.s32 $0xFFFFFFFF, v12;
	[tilespmem:s23+$0x6900] =	vst.msk vm0, v63;
	s29 =	spop (v2sf)  }
0x9c: {  	[tilespmem:s23+$0xD280] =	vst.msk vm0, v12;
	s23 =	sadd.s32 s23, s29  }
0x9d: {  	[tilespmem:s23+$0x6900] =	vst v4  }
0x9e: {  	[tilespmem:s23+$0xD280] =	vst v3  }
0x9f: {  	[tilespmem:s23+$0x6910] =	vst v5  }
0xa0: {  	[tilespmem:s23+$0xD290] =	vst v3  }
0xa1: {  	[tilespmem:s23+$0x6920] =	vst v6  }
0xa2: {  	[tilespmem:s23+$0xD2A0] =	vst v3;
	s24 =	sadd.s32 $0x7F, s23  }
0xa3: {  	[tilespmem:s23+$0x6930] =	vst v7;
	s30 =	sand.u32 $0x7F, s24  }
0xa4: {  	[tilespmem:s23+$0xD2B0] =	vst v3;
	s31 =	sshra.s32 s24, $0x1F;
	p1 =	slt.s32 s24, $0x1;
	p0 =	sne.s32 s30, $0x0  }
0xa5: {  	[tilespmem:s23+$0x6940] =	vst v8;
	s25 =	sshrl.u32 s31, $0x19;
	p0 =	por !p1, !p0  }
0xa6: {  	[tilespmem:s23+$0xD2C0] =	vst v3;
	s24 =	sadd.s32 s25, s24;
	s25 =	simm.s32 $0x1;
	p0 =	por !p0, !p0  }
0xa7: {  	[tilespmem:s23+$0x6950] =	vst v9;
	s24 =	sshra.s32 s24, $0x7;
	s25 =	simm.s32 @!p0 $0x0  }
0xa8: {  	[tilespmem:s23+$0xD2D0] =	vst v3;
	s25 =	ssub.s32 s24, s25  }
0xa9: {  	[tilespmem:s23+$0x6960] =	vst v10;
	p0 =	slt.s32 s25, $0x1  }
.Ltmp9:
0xaa: {  	[tilespmem:s23+$0xD2E0] =	vst v3;
	(pc) =	sbr.rel @p0 .LBB2_19-.Ltmp9, $4  }
0xab: {  	[tilespmem:s23+$0x6970] =	vst v11  }
0xac: {  	[tilespmem:s23+$0xD2F0] =	vst v3  }
0xad: {  	[tilespmem:s23+$0x6980] =	vst v4  }
0xae: {  	[tilespmem:s23+$0xD300] =	vst v3  }
0xaf: {  	s23 =	simm.s32 $0x6940  }
0xb0: {  	v12 =	vld [tilespmem:s23+$0xFFFFFFC0];
	_ =	sdelay $0x4  }
0xb1: {  	s24 =	simm.s32 $0xD2C0;
	[tilespmem:$0x17B00] =	vst v12  }
0xb2: {  	v12 =	vld [tilespmem:s24+$0xFFFFFFC0];
	_ =	sdelay $0x4  }
0xb3: {  	[tilespmem:$0x17B80] =	vst v12  }
0xb4: {  	v12 =	vld [tilespmem:s23+$0xFFFFFFD0];
	_ =	sdelay $0x4  }
0xb5: {  	[tilespmem:$0x17B10] =	vst v12  }
0xb6: {  	v12 =	vld [tilespmem:s24+$0xFFFFFFD0];
	_ =	sdelay $0x4  }
0xb7: {  	[tilespmem:$0x17B90] =	vst v12  }
0xb8: {  	v12 =	vld [tilespmem:s23+$0xFFFFFFE0];
	_ =	sdelay $0x4  }
0xb9: {  	[tilespmem:$0x17B20] =	vst v12  }
0xba: {  	v12 =	vld [tilespmem:s24+$0xFFFFFFE0];
	_ =	sdelay $0x4  }
0xbb: {  	[tilespmem:$0x17BA0] =	vst v12  }
0xbc: {  	v12 =	vld [tilespmem:s23+$0xFFFFFFF0];
	_ =	sdelay $0x4  }
0xbd: {  	[tilespmem:$0x17B30] =	vst v12  }
0xbe: {  	v12 =	vld [tilespmem:s24+$0xFFFFFFF0];
	_ =	sdelay $0x4  }
0xbf: {  	[tilespmem:$0x17BB0] =	vst v12  }
0xc0: {  	v12 =	vld [tilespmem:s23+$0x0];
	_ =	sdelay $0x4  }
0xc1: {  	[tilespmem:$0x17B40] =	vst v12  }
0xc2: {  	v12 =	vld [tilespmem:s24+$0x0];
	_ =	sdelay $0x4  }
0xc3: {  	[tilespmem:$0x17BC0] =	vst v12  }
0xc4: {  	v12 =	vld [tilespmem:s23+$0x10];
	_ =	sdelay $0x4  }
0xc5: {  	[tilespmem:$0x17B50] =	vst v12  }
0xc6: {  	v12 =	vld [tilespmem:s24+$0x10];
	_ =	sdelay $0x4  }
0xc7: {  	[tilespmem:$0x17BD0] =	vst v12  }
0xc8: {  	v12 =	vld [tilespmem:s23+$0x20];
	_ =	sdelay $0x4  }
0xc9: {  	[tilespmem:$0x17B60] =	vst v12  }
0xca: {  	v12 =	vld [tilespmem:s24+$0x20];
	_ =	sdelay $0x4  }
0xcb: {  	[tilespmem:$0x17BE0] =	vst v12  }
0xcc: {  	v12 =	vld [tilespmem:s23+$0x30];
	_ =	sdelay $0x4  }
0xcd: {  	[tilespmem:$0x17B70] =	vst v12  }
0xce: {  	v12 =	vld [tilespmem:s24+$0x30];
	_ =	sdelay $0x4  }
0xcf: {  	[tilespmem:$0x17BF0] =	vst v12  }
0xd0: {  	[tilespmem:s18], [sflag:$0x1] =	stream.indirect.gather [hbm4b:s4+s16], $0x80, s17, s16, $0xb8;
	[tilespmem:$0x1BC00] =	vst v63  }
0xd1: {  	p0 =	sne.s32 s25, $0x1;
	_ =	swait.ge [sflag:s14], $0x4000  }
.Ltmp10:
0xd2: {  	[sflag:s14] =	ssyncset.done $0x0;
	(pc) =	sbr.rel @!p0 .LBB2_18-.Ltmp10, $4  }
0xd3: {  	[sflag:s14] =	ssyncadd.s32 $0xFFFFC000  }
0xd4: {  	[hbm4b:s5+s16] =	stream.indirect.scatter [tilespmem:s18], [sflag:$0x2], $0x80, s19, s16, $0xb8;
	[tilespmem:$0x1BC00] =	vst v63  }
0xd5: {  	_ =	swait.ge [sflag:s20], $0x4000  }
0xd6: {  	s25 =	sadd.s32 $0xFFFFFFFF, s25;
	[sflag:s20] =	ssyncset.done $0x0  }
.LBB2_17:
0xd7: {  	[sflag:s20] =	ssyncadd.s32 $0xFFFFC000;
	s23 =	sadd.s32 $0x80, s23;
	s24 =	sadd.s32 $0x80, s24  }
0xd8: {  	p0 =	sne.s32 s25, $0x1;
	s25 =	sadd.s32 $0xFFFFFFFF, s25;
	v12 =	vld [tilespmem:s23+$0xFFFFFFC0];
	_ =	sdelay $0x4  }
0xd9: {  	[tilespmem:$0x17B00] =	vst v12  }
0xda: {  	v12 =	vld [tilespmem:s24+$0xFFFFFFC0];
	_ =	sdelay $0x4  }
0xdb: {  	[tilespmem:$0x17B80] =	vst v12  }
0xdc: {  	v12 =	vld [tilespmem:s23+$0xFFFFFFD0];
	_ =	sdelay $0x4  }
0xdd: {  	[tilespmem:$0x17B10] =	vst v12  }
0xde: {  	v12 =	vld [tilespmem:s24+$0xFFFFFFD0];
	_ =	sdelay $0x4  }
0xdf: {  	[tilespmem:$0x17B90] =	vst v12  }
0xe0: {  	v12 =	vld [tilespmem:s23+$0xFFFFFFE0];
	_ =	sdelay $0x4  }
0xe1: {  	[tilespmem:$0x17B20] =	vst v12  }
0xe2: {  	v12 =	vld [tilespmem:s24+$0xFFFFFFE0];
	_ =	sdelay $0x4  }
0xe3: {  	[tilespmem:$0x17BA0] =	vst v12  }
0xe4: {  	v12 =	vld [tilespmem:s23+$0xFFFFFFF0];
	_ =	sdelay $0x4  }
0xe5: {  	[tilespmem:$0x17B30] =	vst v12  }
0xe6: {  	v12 =	vld [tilespmem:s24+$0xFFFFFFF0];
	_ =	sdelay $0x4  }
0xe7: {  	[tilespmem:$0x17BB0] =	vst v12  }
0xe8: {  	v12 =	vld [tilespmem:s23+$0x0];
	_ =	sdelay $0x4  }
0xe9: {  	[tilespmem:$0x17B40] =	vst v12  }
0xea: {  	v12 =	vld [tilespmem:s24+$0x0];
	_ =	sdelay $0x4  }
0xeb: {  	[tilespmem:$0x17BC0] =	vst v12  }
0xec: {  	v12 =	vld [tilespmem:s23+$0x10];
	_ =	sdelay $0x4  }
0xed: {  	[tilespmem:$0x17B50] =	vst v12  }
0xee: {  	v12 =	vld [tilespmem:s24+$0x10];
	_ =	sdelay $0x4  }
0xef: {  	[tilespmem:$0x17BD0] =	vst v12  }
0xf0: {  	v12 =	vld [tilespmem:s23+$0x20];
	_ =	sdelay $0x4  }
0xf1: {  	[tilespmem:$0x17B60] =	vst v12  }
0xf2: {  	v12 =	vld [tilespmem:s24+$0x20];
	_ =	sdelay $0x4  }
0xf3: {  	[tilespmem:$0x17BE0] =	vst v12  }
0xf4: {  	v12 =	vld [tilespmem:s23+$0x30];
	_ =	sdelay $0x4  }
0xf5: {  	[tilespmem:$0x17B70] =	vst v12  }
0xf6: {  	v12 =	vld [tilespmem:s24+$0x30];
	_ =	sdelay $0x4  }
0xf7: {  	[tilespmem:$0x17BF0] =	vst v12  }
0xf8: {  	[tilespmem:s18], [sflag:$0x1] =	stream.indirect.gather [hbm4b:s4+s16], $0x80, s17, s16, $0xb8;
	[tilespmem:$0x1BC00] =	vst v63  }
0xf9: {  	_ =	swait.ge [sflag:s14], $0x4000  }
.Ltmp11:
0xfa: {  	[sflag:s14] =	ssyncset.done $0x0;
	(pc) =	sbr.rel @p0 .LBB2_17-.Ltmp11, $4  }
0xfb: {  	[sflag:s14] =	ssyncadd.s32 $0xFFFFC000  }
0xfc: {  	[hbm4b:s5+s16] =	stream.indirect.scatter [tilespmem:s18], [sflag:$0x2], $0x80, s19, s16, $0xb8;
	[tilespmem:$0x1BC00] =	vst v63  }
0xfd: {  	_ =	swait.ge [sflag:s20], $0x4000  }
0xfe: {  	[sflag:s20] =	ssyncset.done $0x0  }
.Ltmp12:
0xff: {  	_ = 	snop;
	(pc) =	sbr.rel .LBB2_18-.Ltmp12, $1  }
0x100: {  	_ =	sdelay $0x3  }
.LBB2_20:
0x101: {  	_ =	sfence.sel $0x180000  }
0x102: {  	[bflag:$0x0] =	sbarrier.arrive $0xFFFF  }
0x103: {  	p0 =	sne.s32 s1, $0x0;
	_ =	strace $0x90000047  }
0x104: {  	s0 =	sadd.s32 @!p0 $0x100000, s0;
	[bflag:$0x2] =	sbarrier.arrive $0xFFFF  }
0x105: {  	[sflag:s0] =	ssyncadd.tile.s32 @!p0 $0x1;
	_ =	shalt  }
.Lfunc_end2:
_tile_overlayer_lowered:
.L_overlay_start_2:
0x106: {  	(tag) =	ssettag $0x2  }
0x107: {  	s0 =	rddreg [dreg:$0x0];
	s2 =	stileid.u32  }
0x108: {  	s1 =	rddreg [dreg:$0x1];
	p0 =	sne.s32 s2, $0x0  }
0x109: {  	s3 =	rddreg [dreg:$0x2];
	[bflag:$0x3] =	sbarrier.arrive $0xFFFF;
	s2 =	simm.s32 @!p0 $0x1C03  }
0x10a: {  	[timem:s3], [sflag:s2] =	dma.local @!p0 [hbm:s0], s1  }
0x10b: {  	s0 =	simm.s32 @!p0 $0x3  }
0x10c: {  	_ =	swait.ge @!p0 [sflag:s0], s1  }
0x10d: {  	s1 =	ssub.s32 @!p0 $0x0, s1;
	[sflag:s0] =	ssyncset.done @!p0 $0x0  }
0x10e: {  	[sflag:s0] =	ssyncadd.s32 @!p0 s1  }
0x10f: {  	[bflag:$0x3] =	sbarrier.arrive $0xFFFF  }
0x110: {  	_ =	shalt  }

</sc_bundles>
